<compile_context>
chip_gen: v7x
topology: tpu7x:2x2x1
jax: 0.10.2.dev20260603
libtpu: 0.0.44.dev20260713+nightly
codegen_flags: <defaults>
</compile_context>

<pallas_src>
import functools

import jax
import jax.numpy as jnp
from jax import lax
from jax.experimental import pallas as pl
from jax.experimental.pallas import tpu as pltpu
from jax.experimental.pallas import tpu_sc as plsc

N = 10000
E = 320000
D_IN = 128
DH = 64

NC = 2
NS = 16
NW = NC * NS
CHUNK = 128
NCHUNK = 80
EPT = NCHUNK * CHUNK
EP = EPT * NW
NP = 12288
NPE = 10240
RPT_E = NPE // NS
EPS = E // NS
COLS_PER_TILE = NP // NW

_mesh = lambda: plsc.VectorSubcoreMesh(
    core_axis_name="c", subcore_axis_name="s", num_cores=NC, num_subcores=NS)

_SC_PARAMS = pltpu.CompilerParams(needs_layout_passes=False)
_SC_PARAMS_NT = pltpu.CompilerParams(needs_layout_passes=False,
                                     use_tc_tiling_on_sc=False)

_Z16 = lambda: jnp.zeros((16,), jnp.float32)


def _rsqrt16(d):
    y = plsc.bitcast(jnp.int32(0x5F3759DF) - (plsc.bitcast(d, jnp.int32) >> 1),
                     jnp.float32)
    for _ in range(3):
        y = y * (1.5 - 0.5 * d * y * y)
    return y


@functools.partial(
    pl.kernel,
    out_type=[jax.ShapeDtypeStruct((NC, NPE, DH), jnp.float32),
              jax.ShapeDtypeStruct((NPE,), jnp.float32)],
    mesh=_mesh(),
    scratch_types=[pltpu.VMEM((EPT,), jnp.int32),
                   pltpu.VMEM((NCHUNK, CHUNK), jnp.int32),
                   pltpu.VMEM((CHUNK, DH), jnp.float32),
                   pltpu.VMEM((CHUNK, DH), jnp.float32),
                   pltpu.VMEM((CHUNK,), jnp.float32),
                   pltpu.VMEM((RPT_E,), jnp.float32),
                   pltpu.VMEM((RPT_E + 16,), jnp.float32),
                   pltpu.VMEM_SHARED((NPE,), jnp.float32),
                   pltpu.VMEM_SHARED((NPE, DH), jnp.float32),
                   pltpu.VMEM_SHARED((NPE, DH), jnp.float32),
                   pltpu.SemaphoreType.DMA,
                   pltpu.SemaphoreType.DMA,
                   pltpu.SemaphoreType.DMA],
    compiler_params=_SC_PARAMS_NT,
)
def _edge64_call(src_hbm, dst_hbm, h_hbm, out_hbm, dinv_hbm,
                 sidx_v, didx_v, rows_a, rows_b, ones_v, zer_v, dv_v,
                 deg_sp, acc_sh, m_sp, sem_a, sem_b, sem_h):
    cid = lax.axis_index("c")
    sid = lax.axis_index("s")
    wid = sid * NC + cid
    rowbase = sid * RPT_E
    cp_s = pltpu.async_copy(src_hbm.at[pl.ds(wid * EPT, EPT)], sidx_v, sem_a)
    z = _Z16()
    one = jnp.ones((16,), jnp.float32)
    for c8 in range(CHUNK // 16):
        ones_v[pl.ds(c8 * 16, 16)] = one

    def zzer(j, carry):
        zer_v[pl.ds(j * 16, 16)] = z
        return carry
    lax.fori_loop(0, RPT_E // 16, zzer, 0)

    def zrow(r, carry):
        for c4 in range(DH // 16):
            rows_a[r, pl.ds(c4 * 16, 16)] = z
        return carry
    lax.fori_loop(0, CHUNK, zrow, 0)

    pltpu.async_copy(zer_v, deg_sp.at[pl.ds(rowbase, RPT_E)], sem_b)

    def zacc(k, carry):
        pltpu.async_copy(
            rows_a, acc_sh.at[pl.ds(rowbase + k * CHUNK, CHUNK)], sem_b)
        return carry
    lax.fori_loop(0, RPT_E // CHUNK, zacc, 0)
    cp_s.wait()
    pltpu.make_async_copy(zer_v, deg_sp.at[pl.ds(rowbase, RPT_E)],
                          sem_b).wait()

    def zacc_drain(k, carry):
        pltpu.make_async_copy(
            rows_a, acc_sh.at[pl.ds(rowbase + k * CHUNK, CHUNK)],
            sem_b).wait()
        return carry
    lax.fori_loop(0, RPT_E // CHUNK, zacc_drain, 0)
    plsc.subcore_barrier()

    def hist(r, carry):
        pltpu.sync_copy(dst_hbm.at[2 * sid + r], didx_v)

        def hadd(c, c2):
            pltpu.async_copy(ones_v, deg_sp.at[didx_v.at[c]], sem_h,
                             add=True)
            return c2
        lax.fori_loop(0, NCHUNK, hadd, 0)

        def hdrain(c, c2):
            pltpu.make_async_copy(ones_v, deg_sp.at[didx_v.at[0]],
                                  sem_h).wait()
            return c2
        lax.fori_loop(0, NCHUNK, hdrain, 0)
        return carry
    lax.fori_loop(0, 2, hist, 0)
    plsc.subcore_barrier()

    pltpu.sync_copy(deg_sp.at[pl.ds(rowbase, RPT_E)],
                    dv_v.at[pl.ds(0, RPT_E)])
    lane = lax.iota(jnp.int32, 16)

    def comb(k, carry):
        sl = pl.ds(k * 16, 16)
        d = dv_v[sl] + 1.0
        row = rowbase + k * 16 + lane
        dv_v[sl] = jnp.where(row < N, _rsqrt16(d), 0.0)
        return carry
    lax.fori_loop(0, RPT_E // 16, comb, 0)

    @pl.when(cid == 0)
    def _():
        pltpu.sync_copy(dv_v.at[pl.ds(0, RPT_E)],
                        dinv_hbm.at[pl.ds(rowbase, RPT_E)])

    cp_d = pltpu.async_copy(dst_hbm.at[wid], didx_v, sem_b)

    bufs = (rows_a, rows_b)
    nstg = RPT_E // CHUNK
    d_in = [None, None]
    d_out = [None, None]
    d_in[0] = pltpu.async_copy(h_hbm.at[pl.ds(rowbase, CHUNK)], bufs[0],
                               sem_a)
    for k in range(nstg):
        b = k % 2
        roff = rowbase + k * CHUNK
        d_in[b].wait()
        if k + 1 < nstg:
            b2 = 1 - b
            if d_out[b2] is not None:
                d_out[b2].wait()
            d_in[b2] = pltpu.async_copy(
                h_hbm.at[pl.ds(rowbase + (k + 1) * CHUNK, CHUNK)],
                bufs[b2], sem_a)
        buf = bufs[b]

        def scale(r, c2, k=k, buf=buf):
            s = dv_v[pl.ds(k * CHUNK + r, 16)][0]
            for c4 in range(DH // 16):
                sl = pl.ds(c4 * 16, 16)
                buf[r, sl] = s * buf[r, sl]
            return c2
        lax.fori_loop(0, CHUNK, scale, 0)
        d_out[b] = pltpu.async_copy(buf, m_sp.at[pl.ds(roff, CHUNK)], sem_h)
    d_out[0].wait()
    d_out[1].wait()
    cp_d.wait()
    plsc.subcore_barrier()

    def _sidx(c):
        return sidx_v.at[pl.ds(c * CHUNK, CHUNK)]

    pltpu.async_copy(m_sp.at[_sidx(0)], rows_a, sem_a)

    def body(i, carry):
        c0 = 2 * i
        c1 = c0 + 1
        pltpu.make_async_copy(m_sp.at[_sidx(c0)], rows_a, sem_a).wait()
        pltpu.async_copy(m_sp.at[_sidx(c1)], rows_b, sem_b)
        pltpu.sync_copy(rows_a, acc_sh.at[didx_v.at[c0]], add=True)
        pltpu.make_async_copy(m_sp.at[_sidx(c1)], rows_b, sem_b).wait()

        @pl.when(i < NCHUNK // 2 - 1)
        def _():
            pltpu.async_copy(m_sp.at[_sidx(c0 + 2)], rows_a, sem_a)
        pltpu.sync_copy(rows_b, acc_sh.at[didx_v.at[c1]], add=True)
        return carry
    lax.fori_loop(0, NCHUNK // 2, body, 0)
    plsc.subcore_barrier()

    def out(k, carry):
        roff = sid * RPT_E + k * CHUNK
        pltpu.async_copy(acc_sh.at[pl.ds(roff, CHUNK)],
                        out_hbm.at[cid, pl.ds(roff, CHUNK)], sem_a)
        return carry
    lax.fori_loop(0, RPT_E // CHUNK, out, 0)

    def out_drain(k, carry):
        roff = sid * RPT_E + k * CHUNK
        pltpu.make_async_copy(acc_sh.at[pl.ds(roff, CHUNK)],
                              out_hbm.at[cid, pl.ds(roff, CHUNK)],
                              sem_a).wait()
        return carry
    lax.fori_loop(0, RPT_E // CHUNK, out_drain, 0)


@functools.partial(
    pl.kernel,
    out_type=jax.ShapeDtypeStruct((NP,), jnp.float32),
    mesh=_mesh(),
    scratch_types=[pltpu.VMEM((NP,), jnp.float32),
                   pltpu.VMEM((EPS,), jnp.int32),
                   pltpu.VMEM((EPS,), jnp.int32),
                   pltpu.VMEM((NP,), jnp.float32),
                   pltpu.VMEM((NS, COLS_PER_TILE), jnp.float32),
                   pltpu.VMEM((COLS_PER_TILE,), jnp.float32),
                   pltpu.VMEM((COLS_PER_TILE,), jnp.float32),
                   pltpu.VMEM((16,), jnp.float32),
                   pltpu.VMEM_SHARED((NS, NP), jnp.float32),
                   pltpu.SemaphoreType.DMA,
                   pltpu.SemaphoreType.DMA,
                   pltpu.SemaphoreType.DMA],
    compiler_params=_SC_PARAMS,
)
def _edge1f_call(src_hbm, dst_hbm, t_hbm, dinv_hbm, b2_hbm, out_hbm,
                 t_v, sidx_v, didx_v, acc_v, blk_v, dv_v, res_v, b2_v,
                 stage_sp, sem_a, sem_b, sem_c):
    cid = lax.axis_index("c")
    sid = lax.axis_index("s")
    cp_t = pltpu.async_copy(t_hbm, t_v, sem_a)
    cp_s = pltpu.async_copy(src_hbm.at[pl.ds(sid * EPS, EPS)], sidx_v, sem_b)
    cp_d = pltpu.async_copy(dst_hbm.at[pl.ds(sid * EPS, EPS)], didx_v, sem_c)
    pltpu.sync_copy(b2_hbm, b2_v)
    z = _Z16()

    def zero(j, carry):
        acc_v[pl.ds(j * 16, 16)] = z
        return carry
    lax.fori_loop(0, NP // 16, zero, 0)
    cp_t.wait()
    cp_s.wait()
    cp_d.wait()

    def body(j, carry):
        sl = pl.ds(j * 16, 16)
        sv = sidx_v[sl]
        dv = didx_v[sl]
        vals = plsc.load_gather(t_v, [sv])
        plsc.addupdate_scatter(acc_v, [dv], vals)
        return carry
    lax.fori_loop(0, EPS // 16, body, 0)

    pltpu.sync_copy(acc_v, stage_sp.at[sid])
    plsc.subcore_barrier()

    colbase = cid * (NP // NC) + sid * COLS_PER_TILE
    pltpu.sync_copy(stage_sp.at[:, pl.ds(colbase, COLS_PER_TILE)], blk_v)
    pltpu.sync_copy(dinv_hbm.at[pl.ds(colbase, COLS_PER_TILE)], dv_v)
    b2 = b2_v[pl.ds(0, 16)]

    def comb(k, carry):
        sl = pl.ds(k * 16, 16)
        es = blk_v[0, sl]
        for s in range(1, NS):
            es = es + blk_v[s, sl]
        tt = t_v[pl.ds(colbase + k * 16, 16)]
        res_v[sl] = dv_v[sl] * (es + tt) + b2
        return carry
    lax.fori_loop(0, COLS_PER_TILE // 16, comb, 0)
    pltpu.sync_copy(res_v, out_hbm.at[pl.ds(colbase, COLS_PER_TILE)])


def _prep_body(x_ref, w1_ref, h_ref):
    h = jnp.dot(x_ref[...], w1_ref[...],
                preferred_element_type=jnp.float32)
    h_ref[...] = jnp.concatenate(
        [h, jnp.zeros((NPE - N, DH), jnp.float32)], axis=0)


_prep_call = pl.pallas_call(
    _prep_body,
    out_shape=jax.ShapeDtypeStruct((NPE, DH), jnp.float32),
)


def _mid_body(accp_ref, h_ref, dinv_ref, b1_ref, w2r_ref, t_ref, dinvp_ref):
    df = dinv_ref[...]
    m = df * h_ref[...]
    acc = accp_ref[0] + accp_ref[1] + m
    a = jnp.maximum(df * acc + b1_ref[...], 0.0)
    s = jnp.sum(a * w2r_ref[...], axis=1, keepdims=True)
    zpad = jnp.zeros((NP - NPE, 1), jnp.float32)
    t_ref[...] = jnp.concatenate([df * s, zpad], axis=0)
    dinvp_ref[...] = jnp.concatenate([df, zpad], axis=0)


_mid_call = pl.pallas_call(
    _mid_body,
    out_shape=[jax.ShapeDtypeStruct((NP, 1), jnp.float32),
               jax.ShapeDtypeStruct((NP, 1), jnp.float32)],
)


def kernel(x, edge_index, node_id, W1, b1, W2, b2):
    src = edge_index[0]
    dst = edge_index[1]
    pad = jnp.full((EP - E,), N, jnp.int32)
    srcp = jnp.concatenate([src, pad])
    dst3 = jnp.concatenate([dst, pad]).reshape(NW, NCHUNK, CHUNK)

    h = _prep_call(x, W1)
    accp, dinv = _edge64_call(srcp, dst3, h)
    t, dinvp = _mid_call(accp, h, dinv.reshape(NPE, 1),
                         b1.reshape(1, DH), W2.reshape(1, DH))
    out = _edge1f_call(src, dst, t.reshape(NP), dinvp.reshape(NP),
                       jnp.broadcast_to(b2, (16,)))
    return out[:N]

# --- scband reference (transcript-rebuilt; emitter-appended) ---
"""Pipeline reference for scband-tab-gnn-87720412054222 (READ-ONLY COPY).

The authoritative reference and input builder live on the scoring server;
editing this copy changes nothing except your own understanding.
"""

import jax, jax.numpy as jnp
import numpy as np

N = 10000
E = 320000
D_IN = 128
D_H = 64


def setup_inputs(seed: int = 0) -> dict:
    key = jax.random.key(seed)
    ks = jax.random.split(key, 8)
    x = jax.random.normal(ks[0], (N, D_IN), dtype=jnp.float32)
    edge_index = jax.random.randint(ks[1], (2, E), 0, N, dtype=jnp.int32)
    node_id = jnp.arange(N, dtype=jnp.int32)
    # GCNConv parameters (glorot-style scaling)
    W1 = jax.random.normal(ks[2], (D_IN, D_H), dtype=jnp.float32) * (1.0 / np.sqrt(D_IN))
    b1 = jnp.zeros((D_H,), dtype=jnp.float32)
    W2 = jax.random.normal(ks[3], (D_H, 1), dtype=jnp.float32) * (1.0 / np.sqrt(D_H))
    b2 = jnp.zeros((1,), dtype=jnp.float32)
    return {"x": x, "edge_index": edge_index, "node_id": node_id,
            "W1": W1, "b1": b1, "W2": W2, "b2": b2}


def _gcn_conv(x, edge_index, W, b):
    # PyG GCNConv: out = D^{-1/2} (A + I) D^{-1/2} (x W) + b
    h = x @ W
    src = edge_index[0]
    dst = edge_index[1]
    loop = jnp.arange(N, dtype=src.dtype)
    src = jnp.concatenate([src, loop])
    dst = jnp.concatenate([dst, loop])
    deg = jnp.zeros((N,), dtype=jnp.float32).at[dst].add(1.0)
    dinv = jnp.where(deg > 0, 1.0 / jnp.sqrt(deg), 0.0)
    norm = dinv[src] * dinv[dst]
    msg = h[src] * norm[:, None]
    out = jnp.zeros((N, h.shape[1]), dtype=jnp.float32).at[dst].add(msg)
    return out + b


def reference(x, edge_index, node_id, W1, b1, W2, b2):
    h = jax.nn.relu(_gcn_conv(x, edge_index, W1, b1))
    out = _gcn_conv(h, edge_index, W2, b2)
    return out.squeeze()

if __name__ == "__main__":
    import jax
    _d = setup_inputs()
    print(jax.jit(kernel)(*tuple(_d.values())))

</pallas_src>

<mosaic_0001>
#map = affine_map<(d0, d1) -> (0)>
module attributes {stable_mosaic.version = 14 : i64} {
  func.func @_edge1f_call(%arg0: i32, %arg1: i32, %arg2: memref<320000xi32, #tpu.memory_space<hbm>>, %arg3: memref<320000xi32, #tpu.memory_space<hbm>>, %arg4: memref<12288xf32, #tpu.memory_space<hbm>>, %arg5: memref<12288xf32, #tpu.memory_space<hbm>>, %arg6: memref<16xf32, #tpu.memory_space<hbm>>, %arg7: memref<12288xf32, #tpu.memory_space<hbm>>, %arg8: memref<12288xf32, #tpu.memory_space<vmem>>, %arg9: memref<20000xi32, #tpu.memory_space<vmem>>, %arg10: memref<20000xi32, #tpu.memory_space<vmem>>, %arg11: memref<12288xf32, #tpu.memory_space<vmem>>, %arg12: memref<16x384xf32, #tpu.memory_space<vmem>>, %arg13: memref<384xf32, #tpu.memory_space<vmem>>, %arg14: memref<384xf32, #tpu.memory_space<vmem>>, %arg15: memref<16xf32, #tpu.memory_space<vmem>>, %arg16: memref<16x12288xf32, #tpu.memory_space<vmem_shared>>, %arg17: memref<!tpu.dma_semaphore, #tpu.memory_space<semaphore_mem>>, %arg18: memref<!tpu.dma_semaphore, #tpu.memory_space<semaphore_mem>>, %arg19: memref<!tpu.dma_semaphore, #tpu.memory_space<semaphore_mem>>) attributes {dimension_semantics = [#tpu.dimension_semantics<core_parallel>, #tpu.dimension_semantics<subcore_parallel>], iteration_bounds = array<i64: 2, 16>, scalar_prefetch = 0 : i64, scratch_operands = 12 : i64, tpu.core_type = #tpu.core_type<sc_vector_subcore>, window_params = [{transform_indices = #map}, {transform_indices = #map}, {transform_indices = #map}, {transform_indices = #map}, {transform_indices = #map}, {transform_indices = #map}]} {
    tpu.enqueue_dma source(%arg4 : memref<12288xf32, #tpu.memory_space<hbm>>) target(%arg8 : memref<12288xf32, #tpu.memory_space<vmem>>) target_semaphore(%arg17 : memref<!tpu.dma_semaphore, #tpu.memory_space<semaphore_mem>>)
    %mul3A = arith.constant 20000 : i32
    %mul3A_0 = arith.muli %arg1, %mul3A : i32
    %dma_start3A = tpu.memref_slice %arg2[%mul3A_0] : memref<320000xi32, #tpu.memory_space<hbm>> -> memref<20000xi32, #tpu.memory_space<hbm>>
    %dma_start3A_1 = tpu.memref_slice %arg2[%mul3A_0] : memref<320000xi32, #tpu.memory_space<hbm>> -> memref<20000xi32, #tpu.memory_space<hbm>>
    tpu.enqueue_dma source(%dma_start3A_1 : memref<20000xi32, #tpu.memory_space<hbm>>) target(%arg9 : memref<20000xi32, #tpu.memory_space<vmem>>) target_semaphore(%arg18 : memref<!tpu.dma_semaphore, #tpu.memory_space<semaphore_mem>>)
    %mul3A_2 = arith.constant 20000 : i32
    %mul3A_3 = arith.muli %arg1, %mul3A_2 : i32
    %dma_start3A_4 = tpu.memref_slice %arg3[%mul3A_3] : memref<320000xi32, #tpu.memory_space<hbm>> -> memref<20000xi32, #tpu.memory_space<hbm>>
    %dma_start3A_5 = tpu.memref_slice %arg3[%mul3A_3] : memref<320000xi32, #tpu.memory_space<hbm>> -> memref<20000xi32, #tpu.memory_space<hbm>>
    tpu.enqueue_dma source(%dma_start3A_5 : memref<20000xi32, #tpu.memory_space<hbm>>) target(%arg10 : memref<20000xi32, #tpu.memory_space<vmem>>) target_semaphore(%arg19 : memref<!tpu.dma_semaphore, #tpu.memory_space<semaphore_mem>>)
    "tpu.region"() ({
      %run_scoped3A = tpu.sem_alloc : memref<!tpu.dma_semaphore, #tpu.memory_space<semaphore_mem>>
      tpu.enqueue_dma source(%arg6 : memref<16xf32, #tpu.memory_space<hbm>>) target(%arg15 : memref<16xf32, #tpu.memory_space<vmem>>) target_semaphore(%run_scoped3A : memref<!tpu.dma_semaphore, #tpu.memory_space<semaphore_mem>>)
      tpu.wait_dma2 semaphore(%run_scoped3A : memref<!tpu.dma_semaphore, #tpu.memory_space<semaphore_mem>>) src(%arg6 : memref<16xf32, #tpu.memory_space<hbm>>) dst(%arg15 : memref<16xf32, #tpu.memory_space<vmem>>)
      tpu.yield
    }) : () -> ()
    %broadcast_in_dim3A = arith.constant 0.000000e+00 : f32
    %broadcast_in_dim3A_6 = vector.broadcast %broadcast_in_dim3A : f32 to vector<16xf32>
    %scan3A = arith.constant 0 : i32
    %scan3A_7 = arith.constant 0 : i32
    %scan3A_8 = arith.constant 768 : i32
    %scan3A_9 = arith.addi %scan3A_7, %scan3A_8 : i32
    %scan3A_10 = arith.constant 1 : i32
    scf.for %scan3A_32 = %scan3A_7 to %scan3A_9 step %scan3A_10  : i32 {
      %mul3A_33 = arith.constant 16 : i32
      %mul3A_34 = arith.muli %scan3A_32, %mul3A_33 : i32
      %swap3A = arith.index_cast %mul3A_34 : i32 to index
      %swap3A_35 = tpu.vector_load %arg11[%swap3A] {strides = array<i32>} : memref<12288xf32, #tpu.memory_space<vmem>>, vector<16xf32>,
      tpu.vector_store %arg11[%swap3A], %broadcast_in_dim3A_6 {strides = array<i32>} : memref<12288xf32, #tpu.memory_space<vmem>>, vector<16xf32>,
    }
    %scan3A_11 = arith.constant 768 : i32
    tpu.wait_dma2 semaphore(%arg17 : memref<!tpu.dma_semaphore, #tpu.memory_space<semaphore_mem>>) src(%arg4 : memref<12288xf32, #tpu.memory_space<hbm>>) dst(%arg8 : memref<12288xf32, #tpu.memory_space<vmem>>)
    %dma_wait3A = tpu.memref_slice %arg2[%mul3A_0] : memref<320000xi32, #tpu.memory_space<hbm>> -> memref<20000xi32, #tpu.memory_space<hbm>>
    %dma_wait3A_12 = tpu.memref_slice %arg2[%mul3A_0] : memref<320000xi32, #tpu.memory_space<hbm>> -> memref<20000xi32, #tpu.memory_space<hbm>>
    tpu.wait_dma2 semaphore(%arg18 : memref<!tpu.dma_semaphore, #tpu.memory_space<semaphore_mem>>) src(%dma_wait3A_12 : memref<20000xi32, #tpu.memory_space<hbm>>) dst(%arg9 : memref<20000xi32, #tpu.memory_space<vmem>>)
    %dma_wait3A_13 = tpu.memref_slice %arg3[%mul3A_3] : memref<320000xi32, #tpu.memory_space<hbm>> -> memref<20000xi32, #tpu.memory_space<hbm>>
    %dma_wait3A_14 = tpu.memref_slice %arg3[%mul3A_3] : memref<320000xi32, #tpu.memory_space<hbm>> -> memref<20000xi32, #tpu.memory_space<hbm>>
    tpu.wait_dma2 semaphore(%arg19 : memref<!tpu.dma_semaphore, #tpu.memory_space<semaphore_mem>>) src(%dma_wait3A_14 : memref<20000xi32, #tpu.memory_space<hbm>>) dst(%arg10 : memref<20000xi32, #tpu.memory_space<vmem>>)
    %scan3A_15 = arith.constant 0 : i32
    %scan3A_16 = arith.constant 0 : i32
    %scan3A_17 = arith.constant 1250 : i32
    %scan3A_18 = arith.addi %scan3A_16, %scan3A_17 : i32
    %scan3A_19 = arith.constant 1 : i32
    scf.for %scan3A_32 = %scan3A_16 to %scan3A_18 step %scan3A_19  : i32 {
      %mul3A_33 = arith.constant 16 : i32
      %mul3A_34 = arith.muli %scan3A_32, %mul3A_33 : i32
      %get3A_35 = arith.index_cast %mul3A_34 : i32 to index
      %get3A_36 = tpu.vector_load %arg9[%get3A_35] {strides = array<i32>} : memref<20000xi32, #tpu.memory_space<vmem>>, vector<16xi32>,
      %get3A_37 = arith.index_cast %mul3A_34 : i32 to index
      %get3A_38 = tpu.vector_load %arg10[%get3A_37] {strides = array<i32>} : memref<20000xi32, #tpu.memory_space<vmem>>, vector<16xi32>,
      %gather3A = tpu.vector_load_idx %arg8[%get3A_36] : memref<12288xf32, #tpu.memory_space<vmem>>[vector<16xi32>], vector<16xf32>,
      tpu.vector_store_idx %arg11[%get3A_38], %gather3A {add = true} : memref<12288xf32, #tpu.memory_space<vmem>>[vector<16xi32>], vector<16xf32>,
    }
    %scan3A_20 = arith.constant 1250 : i32
    "tpu.region"() ({
      %run_scoped3A = tpu.sem_alloc : memref<!tpu.dma_semaphore, #tpu.memory_space<semaphore_mem>>
      %dma_start3A_32 = arith.constant 0 : i32
      %dma_start3A_33 = tpu.memref_slice %arg16[%arg1, %dma_start3A_32] : memref<16x12288xf32, #tpu.memory_space<vmem_shared>> -> memref<1x12288xf32, #tpu.memory_space<vmem_shared>>
      %dma_start3A_34 = tpu.memref_squeeze %dma_start3A_33 : memref<1x12288xf32, #tpu.memory_space<vmem_shared>> -> memref<12288xf32, #tpu.memory_space<vmem_shared>>
      %dma_start3A_35 = arith.constant 0 : i32
      %dma_start3A_36 = tpu.memref_slice %arg16[%arg1, %dma_start3A_35] : memref<16x12288xf32, #tpu.memory_space<vmem_shared>> -> memref<1x12288xf32, #tpu.memory_space<vmem_shared>>
      %dma_start3A_37 = tpu.memref_squeeze %dma_start3A_36 : memref<1x12288xf32, #tpu.memory_space<vmem_shared>> -> memref<12288xf32, #tpu.memory_space<vmem_shared>>
      tpu.enqueue_dma source(%arg11 : memref<12288xf32, #tpu.memory_space<vmem>>) target(%dma_start3A_37 : memref<12288xf32, #tpu.memory_space<vmem_shared>>) target_semaphore(%run_scoped3A : memref<!tpu.dma_semaphore, #tpu.memory_space<semaphore_mem>>)
      %dma_wait3A_38 = arith.constant 0 : i32
      %dma_wait3A_39 = tpu.memref_slice %arg16[%arg1, %dma_wait3A_38] : memref<16x12288xf32, #tpu.memory_space<vmem_shared>> -> memref<1x12288xf32, #tpu.memory_space<vmem_shared>>
      %dma_wait3A_40 = tpu.memref_squeeze %dma_wait3A_39 : memref<1x12288xf32, #tpu.memory_space<vmem_shared>> -> memref<12288xf32, #tpu.memory_space<vmem_shared>>
      %dma_wait3A_41 = arith.constant 0 : i32
      %dma_wait3A_42 = tpu.memref_slice %arg16[%arg1, %dma_wait3A_41] : memref<16x12288xf32, #tpu.memory_space<vmem_shared>> -> memref<1x12288xf32, #tpu.memory_space<vmem_shared>>
      %dma_wait3A_43 = tpu.memref_squeeze %dma_wait3A_42 : memref<1x12288xf32, #tpu.memory_space<vmem_shared>> -> memref<12288xf32, #tpu.memory_space<vmem_shared>>
      tpu.wait_dma2 semaphore(%run_scoped3A : memref<!tpu.dma_semaphore, #tpu.memory_space<semaphore_mem>>) src(%arg11 : memref<12288xf32, #tpu.memory_space<vmem>>) dst(%dma_wait3A_43 : memref<12288xf32, #tpu.memory_space<vmem_shared>>)
      tpu.yield
    }) : () -> ()
    %barrier3A = arith.constant 0 : index
    tpu.barrier barrier_id(%barrier3A)
    %mul3A_21 = arith.constant 6144 : i32
    %mul3A_22 = arith.muli %arg0, %mul3A_21 : i32
    %mul3A_23 = arith.constant 384 : i32
    %mul3A_24 = arith.muli %arg1, %mul3A_23 : i32
    %add3A = arith.addi %mul3A_22, %mul3A_24 : i32
    "tpu.region"() ({
      %run_scoped3A = tpu.sem_alloc : memref<!tpu.dma_semaphore, #tpu.memory_space<semaphore_mem>>
      %dma_start3A_32 = arith.constant 0 : i32
      %dma_start3A_33 = tpu.memref_slice %arg16[%dma_start3A_32, %add3A] : memref<16x12288xf32, #tpu.memory_space<vmem_shared>> -> memref<16x384xf32, #tpu.memory_space<vmem_shared>>
      %dma_start3A_34 = arith.constant 0 : i32
      %dma_start3A_35 = tpu.memref_slice %arg16[%dma_start3A_34, %add3A] : memref<16x12288xf32, #tpu.memory_space<vmem_shared>> -> memref<16x384xf32, #tpu.memory_space<vmem_shared>>
      tpu.enqueue_dma source(%dma_start3A_35 : memref<16x384xf32, #tpu.memory_space<vmem_shared>>) target(%arg12 : memref<16x384xf32, #tpu.memory_space<vmem>>) target_semaphore(%run_scoped3A : memref<!tpu.dma_semaphore, #tpu.memory_space<semaphore_mem>>)
      %dma_wait3A_36 = arith.constant 0 : i32
      %dma_wait3A_37 = tpu.memref_slice %arg16[%dma_wait3A_36, %add3A] : memref<16x12288xf32, #tpu.memory_space<vmem_shared>> -> memref<16x384xf32, #tpu.memory_space<vmem_shared>>
      %dma_wait3A_38 = arith.constant 0 : i32
      %dma_wait3A_39 = tpu.memref_slice %arg16[%dma_wait3A_38, %add3A] : memref<16x12288xf32, #tpu.memory_space<vmem_shared>> -> memref<16x384xf32, #tpu.memory_space<vmem_shared>>
      tpu.wait_dma2 semaphore(%run_scoped3A : memref<!tpu.dma_semaphore, #tpu.memory_space<semaphore_mem>>) src(%dma_wait3A_39 : memref<16x384xf32, #tpu.memory_space<vmem_shared>>) dst(%arg12 : memref<16x384xf32, #tpu.memory_space<vmem>>)
      tpu.yield
    }) : () -> ()
    "tpu.region"() ({
      %run_scoped3A = tpu.sem_alloc : memref<!tpu.dma_semaphore, #tpu.memory_space<semaphore_mem>>
      %dma_start3A_32 = tpu.memref_slice %arg5[%add3A] : memref<12288xf32, #tpu.memory_space<hbm>> -> memref<384xf32, #tpu.memory_space<hbm>>
      %dma_start3A_33 = tpu.memref_slice %arg5[%add3A] : memref<12288xf32, #tpu.memory_space<hbm>> -> memref<384xf32, #tpu.memory_space<hbm>>
      tpu.enqueue_dma source(%dma_start3A_33 : memref<384xf32, #tpu.memory_space<hbm>>) target(%arg13 : memref<384xf32, #tpu.memory_space<vmem>>) target_semaphore(%run_scoped3A : memref<!tpu.dma_semaphore, #tpu.memory_space<semaphore_mem>>)
      %dma_wait3A_34 = tpu.memref_slice %arg5[%add3A] : memref<12288xf32, #tpu.memory_space<hbm>> -> memref<384xf32, #tpu.memory_space<hbm>>
      %dma_wait3A_35 = tpu.memref_slice %arg5[%add3A] : memref<12288xf32, #tpu.memory_space<hbm>> -> memref<384xf32, #tpu.memory_space<hbm>>
      tpu.wait_dma2 semaphore(%run_scoped3A : memref<!tpu.dma_semaphore, #tpu.memory_space<semaphore_mem>>) src(%dma_wait3A_35 : memref<384xf32, #tpu.memory_space<hbm>>) dst(%arg13 : memref<384xf32, #tpu.memory_space<vmem>>)
      tpu.yield
    }) : () -> ()
    %get3A = arith.constant 0 : index
    %get3A_25 = tpu.vector_load %arg15[%get3A] {strides = array<i32>} : memref<16xf32, #tpu.memory_space<vmem>>, vector<16xf32>,
    %scan3A_26 = arith.constant 0 : i32
    %scan3A_27 = arith.constant 0 : i32
    %scan3A_28 = arith.constant 24 : i32
    %scan3A_29 = arith.addi %scan3A_27, %scan3A_28 : i32
    %scan3A_30 = arith.constant 1 : i32
    scf.for %scan3A_32 = %scan3A_27 to %scan3A_29 step %scan3A_30  : i32 {
      %mul3A_33 = arith.constant 16 : i32
      %mul3A_34 = arith.muli %scan3A_32, %mul3A_33 : i32
      %get3A_35 = arith.constant 0 : i32
      %get3A_36 = arith.index_cast %get3A_35 : i32 to index
      %get3A_37 = arith.index_cast %mul3A_34 : i32 to index
      %get3A_38 = tpu.vector_load %arg12[%get3A_36, %get3A_37] {strides = array<i32>} : memref<16x384xf32, #tpu.memory_space<vmem>>, vector<16xf32>,
      %get3A_39 = arith.constant 1 : i32
      %get3A_40 = arith.index_cast %get3A_39 : i32 to index
      %get3A_41 = arith.index_cast %mul3A_34 : i32 to index
      %get3A_42 = tpu.vector_load %arg12[%get3A_40, %get3A_41] {strides = array<i32>} : memref<16x384xf32, #tpu.memory_space<vmem>>, vector<16xf32>,
      %add3A_43 = arith.addf %get3A_38, %get3A_42 : vector<16xf32>
      %get3A_44 = arith.constant 2 : i32
      %get3A_45 = arith.index_cast %get3A_44 : i32 to index
      %get3A_46 = arith.index_cast %mul3A_34 : i32 to index
      %get3A_47 = tpu.vector_load %arg12[%get3A_45, %get3A_46] {strides = array<i32>} : memref<16x384xf32, #tpu.memory_space<vmem>>, vector<16xf32>,
      %add3A_48 = arith.addf %add3A_43, %get3A_47 : vector<16xf32>
      %get3A_49 = arith.constant 3 : i32
      %get3A_50 = arith.index_cast %get3A_49 : i32 to index
      %get3A_51 = arith.index_cast %mul3A_34 : i32 to index
      %get3A_52 = tpu.vector_load %arg12[%get3A_50, %get3A_51] {strides = array<i32>} : memref<16x384xf32, #tpu.memory_space<vmem>>, vector<16xf32>,
      %add3A_53 = arith.addf %add3A_48, %get3A_52 : vector<16xf32>
      %get3A_54 = arith.constant 4 : i32
      %get3A_55 = arith.index_cast %get3A_54 : i32 to index
      %get3A_56 = arith.index_cast %mul3A_34 : i32 to index
      %get3A_57 = tpu.vector_load %arg12[%get3A_55, %get3A_56] {strides = array<i32>} : memref<16x384xf32, #tpu.memory_space<vmem>>, vector<16xf32>,
      %add3A_58 = arith.addf %add3A_53, %get3A_57 : vector<16xf32>
      %get3A_59 = arith.constant 5 : i32
      %get3A_60 = arith.index_cast %get3A_59 : i32 to index
      %get3A_61 = arith.index_cast %mul3A_34 : i32 to index
      %get3A_62 = tpu.vector_load %arg12[%get3A_60, %get3A_61] {strides = array<i32>} : memref<16x384xf32, #tpu.memory_space<vmem>>, vector<16xf32>,
      %add3A_63 = arith.addf %add3A_58, %get3A_62 : vector<16xf32>
      %get3A_64 = arith.constant 6 : i32
      %get3A_65 = arith.index_cast %get3A_64 : i32 to index
      %get3A_66 = arith.index_cast %mul3A_34 : i32 to index
      %get3A_67 = tpu.vector_load %arg12[%get3A_65, %get3A_66] {strides = array<i32>} : memref<16x384xf32, #tpu.memory_space<vmem>>, vector<16xf32>,
      %add3A_68 = arith.addf %add3A_63, %get3A_67 : vector<16xf32>
      %get3A_69 = arith.constant 7 : i32
      %get3A_70 = arith.index_cast %get3A_69 : i32 to index
      %get3A_71 = arith.index_cast %mul3A_34 : i32 to index
      %get3A_72 = tpu.vector_load %arg12[%get3A_70, %get3A_71] {strides = array<i32>} : memref<16x384xf32, #tpu.memory_space<vmem>>, vector<16xf32>,
      %add3A_73 = arith.addf %add3A_68, %get3A_72 : vector<16xf32>
      %get3A_74 = arith.constant 8 : i32
      %get3A_75 = arith.index_cast %get3A_74 : i32 to index
      %get3A_76 = arith.index_cast %mul3A_34 : i32 to index
      %get3A_77 = tpu.vector_load %arg12[%get3A_75, %get3A_76] {strides = array<i32>} : memref<16x384xf32, #tpu.memory_space<vmem>>, vector<16xf32>,
      %add3A_78 = arith.addf %add3A_73, %get3A_77 : vector<16xf32>
      %get3A_79 = arith.constant 9 : i32
      %get3A_80 = arith.index_cast %get3A_79 : i32 to index
      %get3A_81 = arith.index_cast %mul3A_34 : i32 to index
      %get3A_82 = tpu.vector_load %arg12[%get3A_80, %get3A_81] {strides = array<i32>} : memref<16x384xf32, #tpu.memory_space<vmem>>, vector<16xf32>,
      %add3A_83 = arith.addf %add3A_78, %get3A_82 : vector<16xf32>
      %get3A_84 = arith.constant 10 : i32
      %get3A_85 = arith.index_cast %get3A_84 : i32 to index
      %get3A_86 = arith.index_cast %mul3A_34 : i32 to index
      %get3A_87 = tpu.vector_load %arg12[%get3A_85, %get3A_86] {strides = array<i32>} : memref<16x384xf32, #tpu.memory_space<vmem>>, vector<16xf32>,
      %add3A_88 = arith.addf %add3A_83, %get3A_87 : vector<16xf32>
      %get3A_89 = arith.constant 11 : i32
      %get3A_90 = arith.index_cast %get3A_89 : i32 to index
      %get3A_91 = arith.index_cast %mul3A_34 : i32 to index
      %get3A_92 = tpu.vector_load %arg12[%get3A_90, %get3A_91] {strides = array<i32>} : memref<16x384xf32, #tpu.memory_space<vmem>>, vector<16xf32>,
      %add3A_93 = arith.addf %add3A_88, %get3A_92 : vector<16xf32>
      %get3A_94 = arith.constant 12 : i32
      %get3A_95 = arith.index_cast %get3A_94 : i32 to index
      %get3A_96 = arith.index_cast %mul3A_34 : i32 to index
      %get3A_97 = tpu.vector_load %arg12[%get3A_95, %get3A_96] {strides = array<i32>} : memref<16x384xf32, #tpu.memory_space<vmem>>, vector<16xf32>,
      %add3A_98 = arith.addf %add3A_93, %get3A_97 : vector<16xf32>
      %get3A_99 = arith.constant 13 : i32
      %get3A_100 = arith.index_cast %get3A_99 : i32 to index
      %get3A_101 = arith.index_cast %mul3A_34 : i32 to index
      %get3A_102 = tpu.vector_load %arg12[%get3A_100, %get3A_101] {strides = array<i32>} : memref<16x384xf32, #tpu.memory_space<vmem>>, vector<16xf32>,
      %add3A_103 = arith.addf %add3A_98, %get3A_102 : vector<16xf32>
      %get3A_104 = arith.constant 14 : i32
      %get3A_105 = arith.index_cast %get3A_104 : i32 to index
      %get3A_106 = arith.index_cast %mul3A_34 : i32 to index
      %get3A_107 = tpu.vector_load %arg12[%get3A_105, %get3A_106] {strides = array<i32>} : memref<16x384xf32, #tpu.memory_space<vmem>>, vector<16xf32>,
      %add3A_108 = arith.addf %add3A_103, %get3A_107 : vector<16xf32>
      %get3A_109 = arith.constant 15 : i32
      %get3A_110 = arith.index_cast %get3A_109 : i32 to index
      %get3A_111 = arith.index_cast %mul3A_34 : i32 to index
      %get3A_112 = tpu.vector_load %arg12[%get3A_110, %get3A_111] {strides = array<i32>} : memref<16x384xf32, #tpu.memory_space<vmem>>, vector<16xf32>,
      %add3A_113 = arith.addf %add3A_108, %get3A_112 : vector<16xf32>
      %mul3A_114 = arith.constant 16 : i32
      %mul3A_115 = arith.muli %scan3A_32, %mul3A_114 : i32
      %add3A_116 = arith.addi %add3A, %mul3A_115 : i32
      %get3A_117 = arith.index_cast %add3A_116 : i32 to index
      %get3A_118 = tpu.vector_load %arg8[%get3A_117] {strides = array<i32>} : memref<12288xf32, #tpu.memory_space<vmem>>, vector<16xf32>,
      %get3A_119 = arith.index_cast %mul3A_34 : i32 to index
      %get3A_120 = tpu.vector_load %arg13[%get3A_119] {strides = array<i32>} : memref<384xf32, #tpu.memory_space<vmem>>, vector<16xf32>,
      %add3A_121 = arith.addf %add3A_113, %get3A_118 : vector<16xf32>
      %mul3A_122 = arith.mulf %get3A_120, %add3A_121 : vector<16xf32>
      %add3A_123 = arith.addf %mul3A_122, %get3A_25 : vector<16xf32>
      %swap3A = arith.index_cast %mul3A_34 : i32 to index
      %swap3A_124 = tpu.vector_load %arg14[%swap3A] {strides = array<i32>} : memref<384xf32, #tpu.memory_space<vmem>>, vector<16xf32>,
      tpu.vector_store %arg14[%swap3A], %add3A_123 {strides = array<i32>} : memref<384xf32, #tpu.memory_space<vmem>>, vector<16xf32>,
    }
    %scan3A_31 = arith.constant 24 : i32
    "tpu.region"() ({
      %run_scoped3A = tpu.sem_alloc : memref<!tpu.dma_semaphore, #tpu.memory_space<semaphore_mem>>
      %dma_start3A_32 = tpu.memref_slice %arg7[%add3A] : memref<12288xf32, #tpu.memory_space<hbm>> -> memref<384xf32, #tpu.memory_space<hbm>>
      %dma_start3A_33 = tpu.memref_slice %arg7[%add3A] : memref<12288xf32, #tpu.memory_space<hbm>> -> memref<384xf32, #tpu.memory_space<hbm>>
      tpu.enqueue_dma source(%arg14 : memref<384xf32, #tpu.memory_space<vmem>>) target(%dma_start3A_33 : memref<384xf32, #tpu.memory_space<hbm>>) target_semaphore(%run_scoped3A : memref<!tpu.dma_semaphore, #tpu.memory_space<semaphore_mem>>)
      %dma_wait3A_34 = tpu.memref_slice %arg7[%add3A] : memref<12288xf32, #tpu.memory_space<hbm>> -> memref<384xf32, #tpu.memory_space<hbm>>
      %dma_wait3A_35 = tpu.memref_slice %arg7[%add3A] : memref<12288xf32, #tpu.memory_space<hbm>> -> memref<384xf32, #tpu.memory_space<hbm>>
      tpu.wait_dma2 semaphore(%run_scoped3A : memref<!tpu.dma_semaphore, #tpu.memory_space<semaphore_mem>>) src(%arg14 : memref<384xf32, #tpu.memory_space<vmem>>) dst(%dma_wait3A_35 : memref<384xf32, #tpu.memory_space<hbm>>)
      tpu.yield
    }) : () -> ()
    return
  }
}

#map = affine_map<(d0, d1) -> (0)>
#map1 = affine_map<(d0, d1) -> (0, 0, 0)>
#map2 = affine_map<(d0, d1) -> (0, 0)>
module attributes {stable_mosaic.version = 14 : i64} {
  func.func @_edge64_call(%arg0: i32, %arg1: i32, %arg2: memref<327680xi32, #tpu.memory_space<hbm>>, %arg3: memref<32x80x128xi32, #tpu.memory_space<hbm>>, %arg4: memref<10240x64xf32, #tpu.memory_space<hbm>>, %arg5: memref<2x10240x64xf32, #tpu.memory_space<hbm>>, %arg6: memref<10240xf32, #tpu.memory_space<hbm>>, %arg7: memref<10240xi32, #tpu.memory_space<vmem>>, %arg8: memref<80x128xi32, #tpu.memory_space<vmem>>, %arg9: memref<128x64xf32, #tpu.memory_space<vmem>>, %arg10: memref<128x64xf32, #tpu.memory_space<vmem>>, %arg11: memref<128xf32, #tpu.memory_space<vmem>>, %arg12: memref<640xf32, #tpu.memory_space<vmem>>, %arg13: memref<656xf32, #tpu.memory_space<vmem>>, %arg14: memref<10240xf32, #tpu.memory_space<vmem_shared>>, %arg15: memref<10240x64xf32, #tpu.memory_space<vmem_shared>>, %arg16: memref<10240x64xf32, #tpu.memory_space<vmem_shared>>, %arg17: memref<!tpu.dma_semaphore, #tpu.memory_space<semaphore_mem>>, %arg18: memref<!tpu.dma_semaphore, #tpu.memory_space<semaphore_mem>>, %arg19: memref<!tpu.dma_semaphore, #tpu.memory_space<semaphore_mem>>) attributes {dimension_semantics = [#tpu.dimension_semantics<core_parallel>, #tpu.dimension_semantics<subcore_parallel>], iteration_bounds = array<i64: 2, 16>, scalar_prefetch = 0 : i64, scratch_operands = 13 : i64, tpu.core_type = #tpu.core_type<sc_vector_subcore>, window_params = [{transform_indices = #map}, {transform_indices = #map1}, {transform_indices = #map2}, {transform_indices = #map1}, {transform_indices = #map}]} {
    %mul3A = arith.constant 2 : i32
    %mul3A_0 = arith.muli %arg1, %mul3A : i32
    %add3A = arith.addi %mul3A_0, %arg0 : i32
    %mul3A_1 = arith.constant 640 : i32
    %mul3A_2 = arith.muli %arg1, %mul3A_1 : i32
    %mul3A_3 = arith.constant 10240 : i32
    %mul3A_4 = arith.muli %add3A, %mul3A_3 : i32
    %dma_start3A = tpu.memref_slice %arg2[%mul3A_4] : memref<327680xi32, #tpu.memory_space<hbm>> -> memref<10240xi32, #tpu.memory_space<hbm>>
    %dma_start3A_5 = tpu.memref_slice %arg2[%mul3A_4] : memref<327680xi32, #tpu.memory_space<hbm>> -> memref<10240xi32, #tpu.memory_space<hbm>>
    tpu.enqueue_dma source(%dma_start3A_5 : memref<10240xi32, #tpu.memory_space<hbm>>) target(%arg7 : memref<10240xi32, #tpu.memory_space<vmem>>) target_semaphore(%arg17 : memref<!tpu.dma_semaphore, #tpu.memory_space<semaphore_mem>>)
    %broadcast_in_dim3A = arith.constant 0.000000e+00 : f32
    %broadcast_in_dim3A_6 = vector.broadcast %broadcast_in_dim3A : f32 to vector<16xf32>
    %broadcast_in_dim3A_7 = arith.constant 1.000000e+00 : f32
    %broadcast_in_dim3A_8 = vector.broadcast %broadcast_in_dim3A_7 : f32 to vector<16xf32>
    %swap3A = arith.constant 0 : index
    %swap3A_9 = tpu.vector_load %arg11[%swap3A] {strides = array<i32>} : memref<128xf32, #tpu.memory_space<vmem>>, vector<16xf32>,
    tpu.vector_store %arg11[%swap3A], %broadcast_in_dim3A_8 {strides = array<i32>} : memref<128xf32, #tpu.memory_space<vmem>>, vector<16xf32>,
    %swap3A_10 = arith.constant 16 : index
    %swap3A_11 = tpu.vector_load %arg11[%swap3A_10] {strides = array<i32>} : memref<128xf32, #tpu.memory_space<vmem>>, vector<16xf32>,
    tpu.vector_store %arg11[%swap3A_10], %broadcast_in_dim3A_8 {strides = array<i32>} : memref<128xf32, #tpu.memory_space<vmem>>, vector<16xf32>,
    %swap3A_12 = arith.constant 32 : index
    %swap3A_13 = tpu.vector_load %arg11[%swap3A_12] {strides = array<i32>} : memref<128xf32, #tpu.memory_space<vmem>>, vector<16xf32>,
    tpu.vector_store %arg11[%swap3A_12], %broadcast_in_dim3A_8 {strides = array<i32>} : memref<128xf32, #tpu.memory_space<vmem>>, vector<16xf32>,
    %swap3A_14 = arith.constant 48 : index
    %swap3A_15 = tpu.vector_load %arg11[%swap3A_14] {strides = array<i32>} : memref<128xf32, #tpu.memory_space<vmem>>, vector<16xf32>,
    tpu.vector_store %arg11[%swap3A_14], %broadcast_in_dim3A_8 {strides = array<i32>} : memref<128xf32, #tpu.memory_space<vmem>>, vector<16xf32>,
    %swap3A_16 = arith.constant 64 : index
    %swap3A_17 = tpu.vector_load %arg11[%swap3A_16] {strides = array<i32>} : memref<128xf32, #tpu.memory_space<vmem>>, vector<16xf32>,
    tpu.vector_store %arg11[%swap3A_16], %broadcast_in_dim3A_8 {strides = array<i32>} : memref<128xf32, #tpu.memory_space<vmem>>, vector<16xf32>,
    %swap3A_18 = arith.constant 80 : index
    %swap3A_19 = tpu.vector_load %arg11[%swap3A_18] {strides = array<i32>} : memref<128xf32, #tpu.memory_space<vmem>>, vector<16xf32>,
    tpu.vector_store %arg11[%swap3A_18], %broadcast_in_dim3A_8 {strides = array<i32>} : memref<128xf32, #tpu.memory_space<vmem>>, vector<16xf32>,
    %swap3A_20 = arith.constant 96 : index
    %swap3A_21 = tpu.vector_load %arg11[%swap3A_20] {strides = array<i32>} : memref<128xf32, #tpu.memory_space<vmem>>, vector<16xf32>,
    tpu.vector_store %arg11[%swap3A_20], %broadcast_in_dim3A_8 {strides = array<i32>} : memref<128xf32, #tpu.memory_space<vmem>>, vector<16xf32>,
    %swap3A_22 = arith.constant 112 : index
    %swap3A_23 = tpu.vector_load %arg11[%swap3A_22] {strides = array<i32>} : memref<128xf32, #tpu.memory_space<vmem>>, vector<16xf32>,
    tpu.vector_store %arg11[%swap3A_22], %broadcast_in_dim3A_8 {strides = array<i32>} : memref<128xf32, #tpu.memory_space<vmem>>, vector<16xf32>,
    %scan3A = arith.constant 0 : i32
    %scan3A_24 = arith.constant 0 : i32
    %scan3A_25 = arith.constant 40 : i32
    %scan3A_26 = arith.addi %scan3A_24, %scan3A_25 : i32
    %scan3A_27 = arith.constant 1 : i32
    scf.for %scan3A_236 = %scan3A_24 to %scan3A_26 step %scan3A_27  : i32 {
      %mul3A_237 = arith.constant 16 : i32
      %mul3A_238 = arith.muli %scan3A_236, %mul3A_237 : i32
      %swap3A_239 = arith.index_cast %mul3A_238 : i32 to index
      %swap3A_240 = tpu.vector_load %arg12[%swap3A_239] {strides = array<i32>} : memref<640xf32, #tpu.memory_space<vmem>>, vector<16xf32>,
      tpu.vector_store %arg12[%swap3A_239], %broadcast_in_dim3A_6 {strides = array<i32>} : memref<640xf32, #tpu.memory_space<vmem>>, vector<16xf32>,
    }
    %scan3A_28 = arith.constant 40 : i32
    %scan3A_29 = arith.constant 0 : i32
    %scan3A_30 = arith.constant 0 : i32
    %scan3A_31 = arith.constant 128 : i32
    %scan3A_32 = arith.addi %scan3A_30, %scan3A_31 : i32
    %scan3A_33 = arith.constant 1 : i32
    scf.for %scan3A_236 = %scan3A_30 to %scan3A_32 step %scan3A_33  : i32 {
      %swap3A_237 = arith.index_cast %scan3A_236 : i32 to index
      %swap3A_238 = arith.constant 0 : index
      %swap3A_239 = tpu.vector_load %arg9[%swap3A_237, %swap3A_238] {strides = array<i32>} : memref<128x64xf32, #tpu.memory_space<vmem>>, vector<16xf32>,
      tpu.vector_store %arg9[%swap3A_237, %swap3A_238], %broadcast_in_dim3A_6 {strides = array<i32>} : memref<128x64xf32, #tpu.memory_space<vmem>>, vector<16xf32>,
      %swap3A_240 = arith.index_cast %scan3A_236 : i32 to index
      %swap3A_241 = arith.constant 16 : index
      %swap3A_242 = tpu.vector_load %arg9[%swap3A_240, %swap3A_241] {strides = array<i32>} : memref<128x64xf32, #tpu.memory_space<vmem>>, vector<16xf32>,
      tpu.vector_store %arg9[%swap3A_240, %swap3A_241], %broadcast_in_dim3A_6 {strides = array<i32>} : memref<128x64xf32, #tpu.memory_space<vmem>>, vector<16xf32>,
      %swap3A_243 = arith.index_cast %scan3A_236 : i32 to index
      %swap3A_244 = arith.constant 32 : index
      %swap3A_245 = tpu.vector_load %arg9[%swap3A_243, %swap3A_244] {strides = array<i32>} : memref<128x64xf32, #tpu.memory_space<vmem>>, vector<16xf32>,
      tpu.vector_store %arg9[%swap3A_243, %swap3A_244], %broadcast_in_dim3A_6 {strides = array<i32>} : memref<128x64xf32, #tpu.memory_space<vmem>>, vector<16xf32>,
      %swap3A_246 = arith.index_cast %scan3A_236 : i32 to index
      %swap3A_247 = arith.constant 48 : index
      %swap3A_248 = tpu.vector_load %arg9[%swap3A_246, %swap3A_247] {strides = array<i32>} : memref<128x64xf32, #tpu.memory_space<vmem>>, vector<16xf32>,
      tpu.vector_store %arg9[%swap3A_246, %swap3A_247], %broadcast_in_dim3A_6 {strides = array<i32>} : memref<128x64xf32, #tpu.memory_space<vmem>>, vector<16xf32>,
    }
    %scan3A_34 = arith.constant 128 : i32
    %dma_start3A_35 = tpu.memref_slice %arg14[%mul3A_2] : memref<10240xf32, #tpu.memory_space<vmem_shared>> -> memref<640xf32, #tpu.memory_space<vmem_shared>>
    %dma_start3A_36 = tpu.memref_slice %arg14[%mul3A_2] : memref<10240xf32, #tpu.memory_space<vmem_shared>> -> memref<640xf32, #tpu.memory_space<vmem_shared>>
    tpu.enqueue_dma source(%arg12 : memref<640xf32, #tpu.memory_space<vmem>>) target(%dma_start3A_36 : memref<640xf32, #tpu.memory_space<vmem_shared>>) target_semaphore(%arg18 : memref<!tpu.dma_semaphore, #tpu.memory_space<semaphore_mem>>)
    %scan3A_37 = arith.constant 0 : i32
    %scan3A_38 = arith.constant 0 : i32
    %scan3A_39 = arith.constant 5 : i32
    %scan3A_40 = arith.addi %scan3A_38, %scan3A_39 : i32
    %scan3A_41 = arith.constant 1 : i32
    scf.for %scan3A_236 = %scan3A_38 to %scan3A_40 step %scan3A_41  : i32 {
      %mul3A_237 = arith.constant 128 : i32
      %mul3A_238 = arith.muli %scan3A_236, %mul3A_237 : i32
      %add3A_239 = arith.addi %mul3A_2, %mul3A_238 : i32
      %dma_start3A_240 = arith.constant 0 : i32
      %dma_start3A_241 = tpu.memref_slice %arg15[%add3A_239, %dma_start3A_240] : memref<10240x64xf32, #tpu.memory_space<vmem_shared>> -> memref<128x64xf32, #tpu.memory_space<vmem_shared>>
      %dma_start3A_242 = arith.constant 0 : i32
      %dma_start3A_243 = tpu.memref_slice %arg15[%add3A_239, %dma_start3A_242] : memref<10240x64xf32, #tpu.memory_space<vmem_shared>> -> memref<128x64xf32, #tpu.memory_space<vmem_shared>>
      tpu.enqueue_dma source(%arg9 : memref<128x64xf32, #tpu.memory_space<vmem>>) target(%dma_start3A_243 : memref<128x64xf32, #tpu.memory_space<vmem_shared>>) target_semaphore(%arg18 : memref<!tpu.dma_semaphore, #tpu.memory_space<semaphore_mem>>)
    }
    %scan3A_42 = arith.constant 5 : i32
    %dma_wait3A = tpu.memref_slice %arg2[%mul3A_4] : memref<327680xi32, #tpu.memory_space<hbm>> -> memref<10240xi32, #tpu.memory_space<hbm>>
    %dma_wait3A_43 = tpu.memref_slice %arg2[%mul3A_4] : memref<327680xi32, #tpu.memory_space<hbm>> -> memref<10240xi32, #tpu.memory_space<hbm>>
    tpu.wait_dma2 semaphore(%arg17 : memref<!tpu.dma_semaphore, #tpu.memory_space<semaphore_mem>>) src(%dma_wait3A_43 : memref<10240xi32, #tpu.memory_space<hbm>>) dst(%arg7 : memref<10240xi32, #tpu.memory_space<vmem>>)
    %dma_wait3A_44 = tpu.memref_slice %arg14[%mul3A_2] : memref<10240xf32, #tpu.memory_space<vmem_shared>> -> memref<640xf32, #tpu.memory_space<vmem_shared>>
    %dma_wait3A_45 = tpu.memref_slice %arg14[%mul3A_2] : memref<10240xf32, #tpu.memory_space<vmem_shared>> -> memref<640xf32, #tpu.memory_space<vmem_shared>>
    tpu.wait_dma2 semaphore(%arg18 : memref<!tpu.dma_semaphore, #tpu.memory_space<semaphore_mem>>) src(%arg12 : memref<640xf32, #tpu.memory_space<vmem>>) dst(%dma_wait3A_45 : memref<640xf32, #tpu.memory_space<vmem_shared>>)
    %scan3A_46 = arith.constant 0 : i32
    %scan3A_47 = arith.constant 0 : i32
    %scan3A_48 = arith.constant 5 : i32
    %scan3A_49 = arith.addi %scan3A_47, %scan3A_48 : i32
    %scan3A_50 = arith.constant 1 : i32
    scf.for %scan3A_236 = %scan3A_47 to %scan3A_49 step %scan3A_50  : i32 {
      %mul3A_237 = arith.constant 128 : i32
      %mul3A_238 = arith.muli %scan3A_236, %mul3A_237 : i32
      %add3A_239 = arith.addi %mul3A_2, %mul3A_238 : i32
      %dma_wait3A_240 = arith.constant 0 : i32
      %dma_wait3A_241 = tpu.memref_slice %arg15[%add3A_239, %dma_wait3A_240] : memref<10240x64xf32, #tpu.memory_space<vmem_shared>> -> memref<128x64xf32, #tpu.memory_space<vmem_shared>>
      %dma_wait3A_242 = arith.constant 0 : i32
      %dma_wait3A_243 = tpu.memref_slice %arg15[%add3A_239, %dma_wait3A_242] : memref<10240x64xf32, #tpu.memory_space<vmem_shared>> -> memref<128x64xf32, #tpu.memory_space<vmem_shared>>
      tpu.wait_dma2 semaphore(%arg18 : memref<!tpu.dma_semaphore, #tpu.memory_space<semaphore_mem>>) src(%arg9 : memref<128x64xf32, #tpu.memory_space<vmem>>) dst(%dma_wait3A_243 : memref<128x64xf32, #tpu.memory_space<vmem_shared>>)
    }
    %scan3A_51 = arith.constant 5 : i32
    %barrier3A = arith.constant 0 : index
    tpu.barrier barrier_id(%barrier3A)
    %scan3A_52 = arith.constant 0 : i32
    %scan3A_53 = arith.constant 0 : i32
    %scan3A_54 = arith.constant 2 : i32
    %scan3A_55 = arith.addi %scan3A_53, %scan3A_54 : i32
    %scan3A_56 = arith.constant 1 : i32
    scf.for %scan3A_236 = %scan3A_53 to %scan3A_55 step %scan3A_56  : i32 {
      %mul3A_237 = arith.constant 2 : i32
      %mul3A_238 = arith.muli %mul3A_237, %arg1 : i32
      %add3A_239 = arith.addi %mul3A_238, %scan3A_236 : i32
      "tpu.region"() ({
        %run_scoped3A = tpu.sem_alloc : memref<!tpu.dma_semaphore, #tpu.memory_space<semaphore_mem>>
        %dma_start3A_252 = arith.constant 0 : i32
        %dma_start3A_253 = arith.constant 0 : i32
        %dma_start3A_254 = tpu.memref_slice %arg3[%add3A_239, %dma_start3A_252, %dma_start3A_253] : memref<32x80x128xi32, #tpu.memory_space<hbm>> -> memref<1x80x128xi32, #tpu.memory_space<hbm>>
        %dma_start3A_255 = tpu.memref_squeeze %dma_start3A_254 : memref<1x80x128xi32, #tpu.memory_space<hbm>> -> memref<80x128xi32, #tpu.memory_space<hbm>>
        %dma_start3A_256 = arith.constant 0 : i32
        %dma_start3A_257 = arith.constant 0 : i32
        %dma_start3A_258 = tpu.memref_slice %arg3[%add3A_239, %dma_start3A_256, %dma_start3A_257] : memref<32x80x128xi32, #tpu.memory_space<hbm>> -> memref<1x80x128xi32, #tpu.memory_space<hbm>>
        %dma_start3A_259 = tpu.memref_squeeze %dma_start3A_258 : memref<1x80x128xi32, #tpu.memory_space<hbm>> -> memref<80x128xi32, #tpu.memory_space<hbm>>
        tpu.enqueue_dma source(%dma_start3A_259 : memref<80x128xi32, #tpu.memory_space<hbm>>) target(%arg8 : memref<80x128xi32, #tpu.memory_space<vmem>>) target_semaphore(%run_scoped3A : memref<!tpu.dma_semaphore, #tpu.memory_space<semaphore_mem>>)
        %dma_wait3A_260 = arith.constant 0 : i32
        %dma_wait3A_261 = arith.constant 0 : i32
        %dma_wait3A_262 = tpu.memref_slice %arg3[%add3A_239, %dma_wait3A_260, %dma_wait3A_261] : memref<32x80x128xi32, #tpu.memory_space<hbm>> -> memref<1x80x128xi32, #tpu.memory_space<hbm>>
        %dma_wait3A_263 = tpu.memref_squeeze %dma_wait3A_262 : memref<1x80x128xi32, #tpu.memory_space<hbm>> -> memref<80x128xi32, #tpu.memory_space<hbm>>
        %dma_wait3A_264 = arith.constant 0 : i32
        %dma_wait3A_265 = arith.constant 0 : i32
        %dma_wait3A_266 = tpu.memref_slice %arg3[%add3A_239, %dma_wait3A_264, %dma_wait3A_265] : memref<32x80x128xi32, #tpu.memory_space<hbm>> -> memref<1x80x128xi32, #tpu.memory_space<hbm>>
        %dma_wait3A_267 = tpu.memref_squeeze %dma_wait3A_266 : memref<1x80x128xi32, #tpu.memory_space<hbm>> -> memref<80x128xi32, #tpu.memory_space<hbm>>
        tpu.wait_dma2 semaphore(%run_scoped3A : memref<!tpu.dma_semaphore, #tpu.memory_space<semaphore_mem>>) src(%dma_wait3A_267 : memref<80x128xi32, #tpu.memory_space<hbm>>) dst(%arg8 : memref<80x128xi32, #tpu.memory_space<vmem>>)
        tpu.yield
      }) : () -> ()
      %scan3A_240 = arith.constant 0 : i32
      %scan3A_241 = arith.constant 0 : i32
      %scan3A_242 = arith.constant 80 : i32
      %scan3A_243 = arith.addi %scan3A_241, %scan3A_242 : i32
      %scan3A_244 = arith.constant 1 : i32
      scf.for %scan3A_252 = %scan3A_241 to %scan3A_243 step %scan3A_244  : i32 {
        %dma_start3A_253 = arith.constant 0 : i32
        %dma_start3A_254 = tpu.memref_slice %arg8[%scan3A_252, %dma_start3A_253] : memref<80x128xi32, #tpu.memory_space<vmem>> -> memref<1x128xi32, #tpu.memory_space<vmem>>
        %dma_start3A_255 = tpu.memref_squeeze %dma_start3A_254 : memref<1x128xi32, #tpu.memory_space<vmem>> -> memref<128xi32, #tpu.memory_space<vmem>>
        %dma_start3A_256 = arith.constant 0 : i32
        %dma_start3A_257 = tpu.memref_slice %arg14[%dma_start3A_256] : memref<10240xf32, #tpu.memory_space<vmem_shared>> -> memref<10240xf32, #tpu.memory_space<vmem_shared>>
        tpu.enqueue_indirect_dma source(%arg11 : memref<128xf32, #tpu.memory_space<vmem>>) target(%dma_start3A_257 : memref<10240xf32, #tpu.memory_space<vmem_shared>>) offsets(%dma_start3A_255 : memref<128xi32, #tpu.memory_space<vmem>>) semaphore(%arg19 : memref<!tpu.dma_semaphore, #tpu.memory_space<semaphore_mem>>) {add = true}
      }
      %scan3A_245 = arith.constant 80 : i32
      %scan3A_246 = arith.constant 0 : i32
      %scan3A_247 = arith.constant 0 : i32
      %scan3A_248 = arith.constant 80 : i32
      %scan3A_249 = arith.addi %scan3A_247, %scan3A_248 : i32
      %scan3A_250 = arith.constant 1 : i32
      scf.for %scan3A_252 = %scan3A_247 to %scan3A_249 step %scan3A_250  : i32 {
        %dma_wait3A_253 = arith.constant 0 : i32
        %dma_wait3A_254 = arith.constant 0 : i32
        %dma_wait3A_255 = tpu.memref_slice %arg8[%dma_wait3A_253, %dma_wait3A_254] : memref<80x128xi32, #tpu.memory_space<vmem>> -> memref<1x128xi32, #tpu.memory_space<vmem>>
        %dma_wait3A_256 = tpu.memref_squeeze %dma_wait3A_255 : memref<1x128xi32, #tpu.memory_space<vmem>> -> memref<128xi32, #tpu.memory_space<vmem>>
        %dma_wait3A_257 = arith.constant 0 : i32
        %dma_wait3A_258 = tpu.memref_slice %arg14[%dma_wait3A_257] : memref<10240xf32, #tpu.memory_space<vmem_shared>> -> memref<10240xf32, #tpu.memory_space<vmem_shared>>
        tpu.wait_indirect_dma semaphore(%arg19 : memref<!tpu.dma_semaphore, #tpu.memory_space<semaphore_mem>>) src(%arg11 : memref<128xf32, #tpu.memory_space<vmem>>) dst(%dma_wait3A_258 : memref<10240xf32, #tpu.memory_space<vmem_shared>>)
      }
      %scan3A_251 = arith.constant 80 : i32
    }
    %scan3A_57 = arith.constant 2 : i32
    %barrier3A_58 = arith.constant 0 : index
    tpu.barrier barrier_id(%barrier3A_58)
    "tpu.region"() ({
      %run_scoped3A = tpu.sem_alloc : memref<!tpu.dma_semaphore, #tpu.memory_space<semaphore_mem>>
      %dma_start3A_236 = arith.constant 0 : i32
      %dma_start3A_237 = tpu.memref_slice %arg13[%dma_start3A_236] : memref<656xf32, #tpu.memory_space<vmem>> -> memref<640xf32, #tpu.memory_space<vmem>>
      %dma_start3A_238 = tpu.memref_slice %arg14[%mul3A_2] : memref<10240xf32, #tpu.memory_space<vmem_shared>> -> memref<640xf32, #tpu.memory_space<vmem_shared>>
      %dma_start3A_239 = arith.constant 0 : i32
      %dma_start3A_240 = tpu.memref_slice %arg13[%dma_start3A_239] : memref<656xf32, #tpu.memory_space<vmem>> -> memref<640xf32, #tpu.memory_space<vmem>>
      %dma_start3A_241 = tpu.memref_slice %arg14[%mul3A_2] : memref<10240xf32, #tpu.memory_space<vmem_shared>> -> memref<640xf32, #tpu.memory_space<vmem_shared>>
      tpu.enqueue_dma source(%dma_start3A_241 : memref<640xf32, #tpu.memory_space<vmem_shared>>) target(%dma_start3A_240 : memref<640xf32, #tpu.memory_space<vmem>>) target_semaphore(%run_scoped3A : memref<!tpu.dma_semaphore, #tpu.memory_space<semaphore_mem>>)
      %dma_wait3A_242 = arith.constant 0 : i32
      %dma_wait3A_243 = tpu.memref_slice %arg13[%dma_wait3A_242] : memref<656xf32, #tpu.memory_space<vmem>> -> memref<640xf32, #tpu.memory_space<vmem>>
      %dma_wait3A_244 = tpu.memref_slice %arg14[%mul3A_2] : memref<10240xf32, #tpu.memory_space<vmem_shared>> -> memref<640xf32, #tpu.memory_space<vmem_shared>>
      %dma_wait3A_245 = arith.constant 0 : i32
      %dma_wait3A_246 = tpu.memref_slice %arg13[%dma_wait3A_245] : memref<656xf32, #tpu.memory_space<vmem>> -> memref<640xf32, #tpu.memory_space<vmem>>
      %dma_wait3A_247 = tpu.memref_slice %arg14[%mul3A_2] : memref<10240xf32, #tpu.memory_space<vmem_shared>> -> memref<640xf32, #tpu.memory_space<vmem_shared>>
      tpu.wait_dma2 semaphore(%run_scoped3A : memref<!tpu.dma_semaphore, #tpu.memory_space<semaphore_mem>>) src(%dma_wait3A_247 : memref<640xf32, #tpu.memory_space<vmem_shared>>) dst(%dma_wait3A_246 : memref<640xf32, #tpu.memory_space<vmem>>)
      tpu.yield
    }) : () -> ()
    %iota3A = tpu.iota {dimensions = array<i32: 0>} : vector<16xi32>
    %scan3A_59 = arith.constant 0 : i32
    %scan3A_60 = arith.constant 0 : i32
    %scan3A_61 = arith.constant 40 : i32
    %scan3A_62 = arith.addi %scan3A_60, %scan3A_61 : i32
    %scan3A_63 = arith.constant 1 : i32
    scf.for %scan3A_236 = %scan3A_60 to %scan3A_62 step %scan3A_63  : i32 {
      %mul3A_237 = arith.constant 16 : i32
      %mul3A_238 = arith.muli %scan3A_236, %mul3A_237 : i32
      %get3A = arith.index_cast %mul3A_238 : i32 to index
      %get3A_239 = tpu.vector_load %arg13[%get3A] {strides = array<i32>} : memref<656xf32, #tpu.memory_space<vmem>>, vector<16xf32>,
      %add3A_240 = arith.constant 1.000000e+00 : f32
      %add3A_241 = vector.broadcast %add3A_240 : f32 to vector<16xf32>
      %add3A_242 = arith.addf %get3A_239, %add3A_241 : vector<16xf32>
      %mul3A_243 = arith.constant 16 : i32
      %mul3A_244 = arith.muli %scan3A_236, %mul3A_243 : i32
      %add3A_245 = arith.addi %mul3A_2, %mul3A_244 : i32
      %add3A_246 = vector.broadcast %add3A_245 : i32 to vector<16xi32>
      %add3A_247 = arith.addi %add3A_246, %iota3A : vector<16xi32>
      %lt3A = arith.constant 10000 : i32
      %lt3A_248 = vector.broadcast %lt3A : i32 to vector<16xi32>
      %lt3A_249 = arith.cmpi slt, %add3A_247, %lt3A_248 : vector<16xi32>
      %bitcast3A = vector.bitcast %add3A_242 : vector<16xf32> to vector<16xi32>
      %shift_right_arithmetic3A = arith.constant 1 : i32
      %shift_right_arithmetic3A_250 = vector.broadcast %shift_right_arithmetic3A : i32 to vector<16xi32>
      %shift_right_arithmetic3A_251 = arith.shrsi %bitcast3A, %shift_right_arithmetic3A_250 : vector<16xi32>
      %sub3A = arith.constant 1597463007 : i32
      %sub3A_252 = vector.broadcast %sub3A : i32 to vector<16xi32>
      %sub3A_253 = arith.subi %sub3A_252, %shift_right_arithmetic3A_251 : vector<16xi32>
      %bitcast3A_254 = vector.bitcast %sub3A_253 : vector<16xi32> to vector<16xf32>
      %mul3A_255 = arith.constant 5.000000e-01 : f32
      %mul3A_256 = vector.broadcast %mul3A_255 : f32 to vector<16xf32>
      %mul3A_257 = arith.mulf %mul3A_256, %add3A_242 : vector<16xf32>
      %mul3A_258 = arith.mulf %mul3A_257, %bitcast3A_254 : vector<16xf32>
      %mul3A_259 = arith.mulf %mul3A_258, %bitcast3A_254 : vector<16xf32>
      %sub3A_260 = arith.constant 1.500000e+00 : f32
      %sub3A_261 = vector.broadcast %sub3A_260 : f32 to vector<16xf32>
      %sub3A_262 = arith.subf %sub3A_261, %mul3A_259 : vector<16xf32>
      %mul3A_263 = arith.mulf %bitcast3A_254, %sub3A_262 : vector<16xf32>
      %mul3A_264 = arith.constant 5.000000e-01 : f32
      %mul3A_265 = vector.broadcast %mul3A_264 : f32 to vector<16xf32>
      %mul3A_266 = arith.mulf %mul3A_265, %add3A_242 : vector<16xf32>
      %mul3A_267 = arith.mulf %mul3A_266, %mul3A_263 : vector<16xf32>
      %mul3A_268 = arith.mulf %mul3A_267, %mul3A_263 : vector<16xf32>
      %sub3A_269 = arith.constant 1.500000e+00 : f32
      %sub3A_270 = vector.broadcast %sub3A_269 : f32 to vector<16xf32>
      %sub3A_271 = arith.subf %sub3A_270, %mul3A_268 : vector<16xf32>
      %mul3A_272 = arith.mulf %mul3A_263, %sub3A_271 : vector<16xf32>
      %mul3A_273 = arith.constant 5.000000e-01 : f32
      %mul3A_274 = vector.broadcast %mul3A_273 : f32 to vector<16xf32>
      %mul3A_275 = arith.mulf %mul3A_274, %add3A_242 : vector<16xf32>
      %mul3A_276 = arith.mulf %mul3A_275, %mul3A_272 : vector<16xf32>
      %mul3A_277 = arith.mulf %mul3A_276, %mul3A_272 : vector<16xf32>
      %sub3A_278 = arith.constant 1.500000e+00 : f32
      %sub3A_279 = vector.broadcast %sub3A_278 : f32 to vector<16xf32>
      %sub3A_280 = arith.subf %sub3A_279, %mul3A_277 : vector<16xf32>
      %mul3A_281 = arith.mulf %mul3A_272, %sub3A_280 : vector<16xf32>
      %jit3A = arith.constant 0.000000e+00 : f32
      %broadcast_in_dim3A_282 = vector.broadcast %jit3A : f32 to vector<16xf32>
      %select_n3A = arith.select %lt3A_249, %mul3A_281, %broadcast_in_dim3A_282 : vector<16xi1>, vector<16xf32>
      %swap3A_283 = arith.index_cast %mul3A_238 : i32 to index
      %swap3A_284 = tpu.vector_load %arg13[%swap3A_283] {strides = array<i32>} : memref<656xf32, #tpu.memory_space<vmem>>, vector<16xf32>,
      tpu.vector_store %arg13[%swap3A_283], %select_n3A {strides = array<i32>} : memref<656xf32, #tpu.memory_space<vmem>>, vector<16xf32>,
    }
    %scan3A_64 = arith.constant 40 : i32
    %eq3A = arith.constant 0 : i32
    %eq3A_65 = arith.cmpi eq, %arg0, %eq3A : i32
    %convert_element_type3A = arith.extui %eq3A_65 : i1 to i32
    %cond3A = arith.constant 0 : i32
    %cond3A_66 = arith.cmpi ne, %convert_element_type3A, %cond3A : i32
    scf.if %cond3A_66 {
      "tpu.region"() ({
        %run_scoped3A = tpu.sem_alloc : memref<!tpu.dma_semaphore, #tpu.memory_space<semaphore_mem>>
        %dma_start3A_236 = arith.constant 0 : i32
        %dma_start3A_237 = tpu.memref_slice %arg13[%dma_start3A_236] : memref<656xf32, #tpu.memory_space<vmem>> -> memref<640xf32, #tpu.memory_space<vmem>>
        %dma_start3A_238 = tpu.memref_slice %arg6[%mul3A_2] : memref<10240xf32, #tpu.memory_space<hbm>> -> memref<640xf32, #tpu.memory_space<hbm>>
        %dma_start3A_239 = tpu.memref_slice %arg6[%mul3A_2] : memref<10240xf32, #tpu.memory_space<hbm>> -> memref<640xf32, #tpu.memory_space<hbm>>
        %dma_start3A_240 = arith.constant 0 : i32
        %dma_start3A_241 = tpu.memref_slice %arg13[%dma_start3A_240] : memref<656xf32, #tpu.memory_space<vmem>> -> memref<640xf32, #tpu.memory_space<vmem>>
        tpu.enqueue_dma source(%dma_start3A_241 : memref<640xf32, #tpu.memory_space<vmem>>) target(%dma_start3A_239 : memref<640xf32, #tpu.memory_space<hbm>>) target_semaphore(%run_scoped3A : memref<!tpu.dma_semaphore, #tpu.memory_space<semaphore_mem>>)
        %dma_wait3A_242 = arith.constant 0 : i32
        %dma_wait3A_243 = tpu.memref_slice %arg13[%dma_wait3A_242] : memref<656xf32, #tpu.memory_space<vmem>> -> memref<640xf32, #tpu.memory_space<vmem>>
        %dma_wait3A_244 = tpu.memref_slice %arg6[%mul3A_2] : memref<10240xf32, #tpu.memory_space<hbm>> -> memref<640xf32, #tpu.memory_space<hbm>>
        %dma_wait3A_245 = tpu.memref_slice %arg6[%mul3A_2] : memref<10240xf32, #tpu.memory_space<hbm>> -> memref<640xf32, #tpu.memory_space<hbm>>
        %dma_wait3A_246 = arith.constant 0 : i32
        %dma_wait3A_247 = tpu.memref_slice %arg13[%dma_wait3A_246] : memref<656xf32, #tpu.memory_space<vmem>> -> memref<640xf32, #tpu.memory_space<vmem>>
        tpu.wait_dma2 semaphore(%run_scoped3A : memref<!tpu.dma_semaphore, #tpu.memory_space<semaphore_mem>>) src(%dma_wait3A_247 : memref<640xf32, #tpu.memory_space<vmem>>) dst(%dma_wait3A_245 : memref<640xf32, #tpu.memory_space<hbm>>)
        tpu.yield
      }) : () -> ()
    } else {
    }
    %dma_start3A_67 = arith.constant 0 : i32
    %dma_start3A_68 = arith.constant 0 : i32
    %dma_start3A_69 = tpu.memref_slice %arg3[%add3A, %dma_start3A_67, %dma_start3A_68] : memref<32x80x128xi32, #tpu.memory_space<hbm>> -> memref<1x80x128xi32, #tpu.memory_space<hbm>>
    %dma_start3A_70 = tpu.memref_squeeze %dma_start3A_69 : memref<1x80x128xi32, #tpu.memory_space<hbm>> -> memref<80x128xi32, #tpu.memory_space<hbm>>
    %dma_start3A_71 = arith.constant 0 : i32
    %dma_start3A_72 = arith.constant 0 : i32
    %dma_start3A_73 = tpu.memref_slice %arg3[%add3A, %dma_start3A_71, %dma_start3A_72] : memref<32x80x128xi32, #tpu.memory_space<hbm>> -> memref<1x80x128xi32, #tpu.memory_space<hbm>>
    %dma_start3A_74 = tpu.memref_squeeze %dma_start3A_73 : memref<1x80x128xi32, #tpu.memory_space<hbm>> -> memref<80x128xi32, #tpu.memory_space<hbm>>
    tpu.enqueue_dma source(%dma_start3A_74 : memref<80x128xi32, #tpu.memory_space<hbm>>) target(%arg8 : memref<80x128xi32, #tpu.memory_space<vmem>>) target_semaphore(%arg18 : memref<!tpu.dma_semaphore, #tpu.memory_space<semaphore_mem>>)
    %dma_start3A_75 = arith.constant 0 : i32
    %dma_start3A_76 = tpu.memref_slice %arg4[%mul3A_2, %dma_start3A_75] : memref<10240x64xf32, #tpu.memory_space<hbm>> -> memref<128x64xf32, #tpu.memory_space<hbm>>
    %dma_start3A_77 = arith.constant 0 : i32
    %dma_start3A_78 = tpu.memref_slice %arg4[%mul3A_2, %dma_start3A_77] : memref<10240x64xf32, #tpu.memory_space<hbm>> -> memref<128x64xf32, #tpu.memory_space<hbm>>
    tpu.enqueue_dma source(%dma_start3A_78 : memref<128x64xf32, #tpu.memory_space<hbm>>) target(%arg9 : memref<128x64xf32, #tpu.memory_space<vmem>>) target_semaphore(%arg17 : memref<!tpu.dma_semaphore, #tpu.memory_space<semaphore_mem>>)
    %add3A_79 = arith.constant 0 : i32
    %add3A_80 = arith.addi %mul3A_2, %add3A_79 : i32
    %dma_wait3A_81 = arith.constant 0 : i32
    %dma_wait3A_82 = tpu.memref_slice %arg4[%mul3A_2, %dma_wait3A_81] : memref<10240x64xf32, #tpu.memory_space<hbm>> -> memref<128x64xf32, #tpu.memory_space<hbm>>
    %dma_wait3A_83 = arith.constant 0 : i32
    %dma_wait3A_84 = tpu.memref_slice %arg4[%mul3A_2, %dma_wait3A_83] : memref<10240x64xf32, #tpu.memory_space<hbm>> -> memref<128x64xf32, #tpu.memory_space<hbm>>
    tpu.wait_dma2 semaphore(%arg17 : memref<!tpu.dma_semaphore, #tpu.memory_space<semaphore_mem>>) src(%dma_wait3A_84 : memref<128x64xf32, #tpu.memory_space<hbm>>) dst(%arg9 : memref<128x64xf32, #tpu.memory_space<vmem>>)
    %add3A_85 = arith.constant 128 : i32
    %add3A_86 = arith.addi %mul3A_2, %add3A_85 : i32
    %dma_start3A_87 = arith.constant 0 : i32
    %dma_start3A_88 = tpu.memref_slice %arg4[%add3A_86, %dma_start3A_87] : memref<10240x64xf32, #tpu.memory_space<hbm>> -> memref<128x64xf32, #tpu.memory_space<hbm>>
    %dma_start3A_89 = arith.constant 0 : i32
    %dma_start3A_90 = tpu.memref_slice %arg4[%add3A_86, %dma_start3A_89] : memref<10240x64xf32, #tpu.memory_space<hbm>> -> memref<128x64xf32, #tpu.memory_space<hbm>>
    tpu.enqueue_dma source(%dma_start3A_90 : memref<128x64xf32, #tpu.memory_space<hbm>>) target(%arg10 : memref<128x64xf32, #tpu.memory_space<vmem>>) target_semaphore(%arg17 : memref<!tpu.dma_semaphore, #tpu.memory_space<semaphore_mem>>)
    %scan3A_91 = arith.constant 0 : i32
    %scan3A_92 = arith.constant 0 : i32
    %scan3A_93 = arith.constant 128 : i32
    %scan3A_94 = arith.addi %scan3A_92, %scan3A_93 : i32
    %scan3A_95 = arith.constant 1 : i32
    scf.for %scan3A_236 = %scan3A_92 to %scan3A_94 step %scan3A_95  : i32 {
      %add3A_237 = arith.constant 0 : i32
      %add3A_238 = arith.addi %add3A_237, %scan3A_236 : i32
      %get3A = arith.index_cast %add3A_238 : i32 to index
      %get3A_239 = tpu.vector_load %arg13[%get3A] {strides = array<i32>} : memref<656xf32, #tpu.memory_space<vmem>>, vector<16xf32>,
      %slice3A = vector.extract_strided_slice %get3A_239 {offsets = [0], sizes = [1], strides = [1]} : vector<16xf32> to vector<1xf32>
      %squeeze3A = vector.extract %slice3A[0] : f32 from vector<1xf32>
      %get3A_240 = arith.index_cast %scan3A_236 : i32 to index
      %get3A_241 = arith.constant 0 : index
      %get3A_242 = tpu.vector_load %arg9[%get3A_240, %get3A_241] {strides = array<i32>} : memref<128x64xf32, #tpu.memory_space<vmem>>, vector<16xf32>,
      %mul3A_243 = vector.broadcast %squeeze3A : f32 to vector<16xf32>
      %mul3A_244 = arith.mulf %mul3A_243, %get3A_242 : vector<16xf32>
      %swap3A_245 = arith.index_cast %scan3A_236 : i32 to index
      %swap3A_246 = arith.constant 0 : index
      %swap3A_247 = tpu.vector_load %arg9[%swap3A_245, %swap3A_246] {strides = array<i32>} : memref<128x64xf32, #tpu.memory_space<vmem>>, vector<16xf32>,
      tpu.vector_store %arg9[%swap3A_245, %swap3A_246], %mul3A_244 {strides = array<i32>} : memref<128x64xf32, #tpu.memory_space<vmem>>, vector<16xf32>,
      %get3A_248 = arith.index_cast %scan3A_236 : i32 to index
      %get3A_249 = arith.constant 16 : index
      %get3A_250 = tpu.vector_load %arg9[%get3A_248, %get3A_249] {strides = array<i32>} : memref<128x64xf32, #tpu.memory_space<vmem>>, vector<16xf32>,
      %mul3A_251 = vector.broadcast %squeeze3A : f32 to vector<16xf32>
      %mul3A_252 = arith.mulf %mul3A_251, %get3A_250 : vector<16xf32>
      %swap3A_253 = arith.index_cast %scan3A_236 : i32 to index
      %swap3A_254 = arith.constant 16 : index
      %swap3A_255 = tpu.vector_load %arg9[%swap3A_253, %swap3A_254] {strides = array<i32>} : memref<128x64xf32, #tpu.memory_space<vmem>>, vector<16xf32>,
      tpu.vector_store %arg9[%swap3A_253, %swap3A_254], %mul3A_252 {strides = array<i32>} : memref<128x64xf32, #tpu.memory_space<vmem>>, vector<16xf32>,
      %get3A_256 = arith.index_cast %scan3A_236 : i32 to index
      %get3A_257 = arith.constant 32 : index
      %get3A_258 = tpu.vector_load %arg9[%get3A_256, %get3A_257] {strides = array<i32>} : memref<128x64xf32, #tpu.memory_space<vmem>>, vector<16xf32>,
      %mul3A_259 = vector.broadcast %squeeze3A : f32 to vector<16xf32>
      %mul3A_260 = arith.mulf %mul3A_259, %get3A_258 : vector<16xf32>
      %swap3A_261 = arith.index_cast %scan3A_236 : i32 to index
      %swap3A_262 = arith.constant 32 : index
      %swap3A_263 = tpu.vector_load %arg9[%swap3A_261, %swap3A_262] {strides = array<i32>} : memref<128x64xf32, #tpu.memory_space<vmem>>, vector<16xf32>,
      tpu.vector_store %arg9[%swap3A_261, %swap3A_262], %mul3A_260 {strides = array<i32>} : memref<128x64xf32, #tpu.memory_space<vmem>>, vector<16xf32>,
      %get3A_264 = arith.index_cast %scan3A_236 : i32 to index
      %get3A_265 = arith.constant 48 : index
      %get3A_266 = tpu.vector_load %arg9[%get3A_264, %get3A_265] {strides = array<i32>} : memref<128x64xf32, #tpu.memory_space<vmem>>, vector<16xf32>,
      %mul3A_267 = vector.broadcast %squeeze3A : f32 to vector<16xf32>
      %mul3A_268 = arith.mulf %mul3A_267, %get3A_266 : vector<16xf32>
      %swap3A_269 = arith.index_cast %scan3A_236 : i32 to index
      %swap3A_270 = arith.constant 48 : index
      %swap3A_271 = tpu.vector_load %arg9[%swap3A_269, %swap3A_270] {strides = array<i32>} : memref<128x64xf32, #tpu.memory_space<vmem>>, vector<16xf32>,
      tpu.vector_store %arg9[%swap3A_269, %swap3A_270], %mul3A_268 {strides = array<i32>} : memref<128x64xf32, #tpu.memory_space<vmem>>, vector<16xf32>,
    }
    %scan3A_96 = arith.constant 128 : i32
    %dma_start3A_97 = arith.constant 0 : i32
    %dma_start3A_98 = tpu.memref_slice %arg16[%add3A_80, %dma_start3A_97] : memref<10240x64xf32, #tpu.memory_space<vmem_shared>> -> memref<128x64xf32, #tpu.memory_space<vmem_shared>>
    %dma_start3A_99 = arith.constant 0 : i32
    %dma_start3A_100 = tpu.memref_slice %arg16[%add3A_80, %dma_start3A_99] : memref<10240x64xf32, #tpu.memory_space<vmem_shared>> -> memref<128x64xf32, #tpu.memory_space<vmem_shared>>
    tpu.enqueue_dma source(%arg9 : memref<128x64xf32, #tpu.memory_space<vmem>>) target(%dma_start3A_100 : memref<128x64xf32, #tpu.memory_space<vmem_shared>>) target_semaphore(%arg19 : memref<!tpu.dma_semaphore, #tpu.memory_space<semaphore_mem>>)
    %add3A_101 = arith.constant 128 : i32
    %add3A_102 = arith.addi %mul3A_2, %add3A_101 : i32
    %dma_wait3A_103 = arith.constant 0 : i32
    %dma_wait3A_104 = tpu.memref_slice %arg4[%add3A_86, %dma_wait3A_103] : memref<10240x64xf32, #tpu.memory_space<hbm>> -> memref<128x64xf32, #tpu.memory_space<hbm>>
    %dma_wait3A_105 = arith.constant 0 : i32
    %dma_wait3A_106 = tpu.memref_slice %arg4[%add3A_86, %dma_wait3A_105] : memref<10240x64xf32, #tpu.memory_space<hbm>> -> memref<128x64xf32, #tpu.memory_space<hbm>>
    tpu.wait_dma2 semaphore(%arg17 : memref<!tpu.dma_semaphore, #tpu.memory_space<semaphore_mem>>) src(%dma_wait3A_106 : memref<128x64xf32, #tpu.memory_space<hbm>>) dst(%arg10 : memref<128x64xf32, #tpu.memory_space<vmem>>)
    %dma_wait3A_107 = arith.constant 0 : i32
    %dma_wait3A_108 = tpu.memref_slice %arg16[%add3A_80, %dma_wait3A_107] : memref<10240x64xf32, #tpu.memory_space<vmem_shared>> -> memref<128x64xf32, #tpu.memory_space<vmem_shared>>
    %dma_wait3A_109 = arith.constant 0 : i32
    %dma_wait3A_110 = tpu.memref_slice %arg16[%add3A_80, %dma_wait3A_109] : memref<10240x64xf32, #tpu.memory_space<vmem_shared>> -> memref<128x64xf32, #tpu.memory_space<vmem_shared>>
    tpu.wait_dma2 semaphore(%arg19 : memref<!tpu.dma_semaphore, #tpu.memory_space<semaphore_mem>>) src(%arg9 : memref<128x64xf32, #tpu.memory_space<vmem>>) dst(%dma_wait3A_110 : memref<128x64xf32, #tpu.memory_space<vmem_shared>>)
    %add3A_111 = arith.constant 256 : i32
    %add3A_112 = arith.addi %mul3A_2, %add3A_111 : i32
    %dma_start3A_113 = arith.constant 0 : i32
    %dma_start3A_114 = tpu.memref_slice %arg4[%add3A_112, %dma_start3A_113] : memref<10240x64xf32, #tpu.memory_space<hbm>> -> memref<128x64xf32, #tpu.memory_space<hbm>>
    %dma_start3A_115 = arith.constant 0 : i32
    %dma_start3A_116 = tpu.memref_slice %arg4[%add3A_112, %dma_start3A_115] : memref<10240x64xf32, #tpu.memory_space<hbm>> -> memref<128x64xf32, #tpu.memory_space<hbm>>
    tpu.enqueue_dma source(%dma_start3A_116 : memref<128x64xf32, #tpu.memory_space<hbm>>) target(%arg9 : memref<128x64xf32, #tpu.memory_space<vmem>>) target_semaphore(%arg17 : memref<!tpu.dma_semaphore, #tpu.memory_space<semaphore_mem>>)
    %scan3A_117 = arith.constant 0 : i32
    %scan3A_118 = arith.constant 0 : i32
    %scan3A_119 = arith.constant 128 : i32
    %scan3A_120 = arith.addi %scan3A_118, %scan3A_119 : i32
    %scan3A_121 = arith.constant 1 : i32
    scf.for %scan3A_236 = %scan3A_118 to %scan3A_120 step %scan3A_121  : i32 {
      %add3A_237 = arith.constant 128 : i32
      %add3A_238 = arith.addi %add3A_237, %scan3A_236 : i32
      %get3A = arith.index_cast %add3A_238 : i32 to index
      %get3A_239 = tpu.vector_load %arg13[%get3A] {strides = array<i32>} : memref<656xf32, #tpu.memory_space<vmem>>, vector<16xf32>,
      %slice3A = vector.extract_strided_slice %get3A_239 {offsets = [0], sizes = [1], strides = [1]} : vector<16xf32> to vector<1xf32>
      %squeeze3A = vector.extract %slice3A[0] : f32 from vector<1xf32>
      %get3A_240 = arith.index_cast %scan3A_236 : i32 to index
      %get3A_241 = arith.constant 0 : index
      %get3A_242 = tpu.vector_load %arg10[%get3A_240, %get3A_241] {strides = array<i32>} : memref<128x64xf32, #tpu.memory_space<vmem>>, vector<16xf32>,
      %mul3A_243 = vector.broadcast %squeeze3A : f32 to vector<16xf32>
      %mul3A_244 = arith.mulf %mul3A_243, %get3A_242 : vector<16xf32>
      %swap3A_245 = arith.index_cast %scan3A_236 : i32 to index
      %swap3A_246 = arith.constant 0 : index
      %swap3A_247 = tpu.vector_load %arg10[%swap3A_245, %swap3A_246] {strides = array<i32>} : memref<128x64xf32, #tpu.memory_space<vmem>>, vector<16xf32>,
      tpu.vector_store %arg10[%swap3A_245, %swap3A_246], %mul3A_244 {strides = array<i32>} : memref<128x64xf32, #tpu.memory_space<vmem>>, vector<16xf32>,
      %get3A_248 = arith.index_cast %scan3A_236 : i32 to index
      %get3A_249 = arith.constant 16 : index
      %get3A_250 = tpu.vector_load %arg10[%get3A_248, %get3A_249] {strides = array<i32>} : memref<128x64xf32, #tpu.memory_space<vmem>>, vector<16xf32>,
      %mul3A_251 = vector.broadcast %squeeze3A : f32 to vector<16xf32>
      %mul3A_252 = arith.mulf %mul3A_251, %get3A_250 : vector<16xf32>
      %swap3A_253 = arith.index_cast %scan3A_236 : i32 to index
      %swap3A_254 = arith.constant 16 : index
      %swap3A_255 = tpu.vector_load %arg10[%swap3A_253, %swap3A_254] {strides = array<i32>} : memref<128x64xf32, #tpu.memory_space<vmem>>, vector<16xf32>,
      tpu.vector_store %arg10[%swap3A_253, %swap3A_254], %mul3A_252 {strides = array<i32>} : memref<128x64xf32, #tpu.memory_space<vmem>>, vector<16xf32>,
      %get3A_256 = arith.index_cast %scan3A_236 : i32 to index
      %get3A_257 = arith.constant 32 : index
      %get3A_258 = tpu.vector_load %arg10[%get3A_256, %get3A_257] {strides = array<i32>} : memref<128x64xf32, #tpu.memory_space<vmem>>, vector<16xf32>,
      %mul3A_259 = vector.broadcast %squeeze3A : f32 to vector<16xf32>
      %mul3A_260 = arith.mulf %mul3A_259, %get3A_258 : vector<16xf32>
      %swap3A_261 = arith.index_cast %scan3A_236 : i32 to index
      %swap3A_262 = arith.constant 32 : index
      %swap3A_263 = tpu.vector_load %arg10[%swap3A_261, %swap3A_262] {strides = array<i32>} : memref<128x64xf32, #tpu.memory_space<vmem>>, vector<16xf32>,
      tpu.vector_store %arg10[%swap3A_261, %swap3A_262], %mul3A_260 {strides = array<i32>} : memref<128x64xf32, #tpu.memory_space<vmem>>, vector<16xf32>,
      %get3A_264 = arith.index_cast %scan3A_236 : i32 to index
      %get3A_265 = arith.constant 48 : index
      %get3A_266 = tpu.vector_load %arg10[%get3A_264, %get3A_265] {strides = array<i32>} : memref<128x64xf32, #tpu.memory_space<vmem>>, vector<16xf32>,
      %mul3A_267 = vector.broadcast %squeeze3A : f32 to vector<16xf32>
      %mul3A_268 = arith.mulf %mul3A_267, %get3A_266 : vector<16xf32>
      %swap3A_269 = arith.index_cast %scan3A_236 : i32 to index
      %swap3A_270 = arith.constant 48 : index
      %swap3A_271 = tpu.vector_load %arg10[%swap3A_269, %swap3A_270] {strides = array<i32>} : memref<128x64xf32, #tpu.memory_space<vmem>>, vector<16xf32>,
      tpu.vector_store %arg10[%swap3A_269, %swap3A_270], %mul3A_268 {strides = array<i32>} : memref<128x64xf32, #tpu.memory_space<vmem>>, vector<16xf32>,
    }
    %scan3A_122 = arith.constant 128 : i32
    %dma_start3A_123 = arith.constant 0 : i32
    %dma_start3A_124 = tpu.memref_slice %arg16[%add3A_102, %dma_start3A_123] : memref<10240x64xf32, #tpu.memory_space<vmem_shared>> -> memref<128x64xf32, #tpu.memory_space<vmem_shared>>
    %dma_start3A_125 = arith.constant 0 : i32
    %dma_start3A_126 = tpu.memref_slice %arg16[%add3A_102, %dma_start3A_125] : memref<10240x64xf32, #tpu.memory_space<vmem_shared>> -> memref<128x64xf32, #tpu.memory_space<vmem_shared>>
    tpu.enqueue_dma source(%arg10 : memref<128x64xf32, #tpu.memory_space<vmem>>) target(%dma_start3A_126 : memref<128x64xf32, #tpu.memory_space<vmem_shared>>) target_semaphore(%arg19 : memref<!tpu.dma_semaphore, #tpu.memory_space<semaphore_mem>>)
    %add3A_127 = arith.constant 256 : i32
    %add3A_128 = arith.addi %mul3A_2, %add3A_127 : i32
    %dma_wait3A_129 = arith.constant 0 : i32
    %dma_wait3A_130 = tpu.memref_slice %arg4[%add3A_112, %dma_wait3A_129] : memref<10240x64xf32, #tpu.memory_space<hbm>> -> memref<128x64xf32, #tpu.memory_space<hbm>>
    %dma_wait3A_131 = arith.constant 0 : i32
    %dma_wait3A_132 = tpu.memref_slice %arg4[%add3A_112, %dma_wait3A_131] : memref<10240x64xf32, #tpu.memory_space<hbm>> -> memref<128x64xf32, #tpu.memory_space<hbm>>
    tpu.wait_dma2 semaphore(%arg17 : memref<!tpu.dma_semaphore, #tpu.memory_space<semaphore_mem>>) src(%dma_wait3A_132 : memref<128x64xf32, #tpu.memory_space<hbm>>) dst(%arg9 : memref<128x64xf32, #tpu.memory_space<vmem>>)
    %dma_wait3A_133 = arith.constant 0 : i32
    %dma_wait3A_134 = tpu.memref_slice %arg16[%add3A_102, %dma_wait3A_133] : memref<10240x64xf32, #tpu.memory_space<vmem_shared>> -> memref<128x64xf32, #tpu.memory_space<vmem_shared>>
    %dma_wait3A_135 = arith.constant 0 : i32
    %dma_wait3A_136 = tpu.memref_slice %arg16[%add3A_102, %dma_wait3A_135] : memref<10240x64xf32, #tpu.memory_space<vmem_shared>> -> memref<128x64xf32, #tpu.memory_space<vmem_shared>>
    tpu.wait_dma2 semaphore(%arg19 : memref<!tpu.dma_semaphore, #tpu.memory_space<semaphore_mem>>) src(%arg10 : memref<128x64xf32, #tpu.memory_space<vmem>>) dst(%dma_wait3A_136 : memref<128x64xf32, #tpu.memory_space<vmem_shared>>)
    %add3A_137 = arith.constant 384 : i32
    %add3A_138 = arith.addi %mul3A_2, %add3A_137 : i32
    %dma_start3A_139 = arith.constant 0 : i32
    %dma_start3A_140 = tpu.memref_slice %arg4[%add3A_138, %dma_start3A_139] : memref<10240x64xf32, #tpu.memory_space<hbm>> -> memref<128x64xf32, #tpu.memory_space<hbm>>
    %dma_start3A_141 = arith.constant 0 : i32
    %dma_start3A_142 = tpu.memref_slice %arg4[%add3A_138, %dma_start3A_141] : memref<10240x64xf32, #tpu.memory_space<hbm>> -> memref<128x64xf32, #tpu.memory_space<hbm>>
    tpu.enqueue_dma source(%dma_start3A_142 : memref<128x64xf32, #tpu.memory_space<hbm>>) target(%arg10 : memref<128x64xf32, #tpu.memory_space<vmem>>) target_semaphore(%arg17 : memref<!tpu.dma_semaphore, #tpu.memory_space<semaphore_mem>>)
    %scan3A_143 = arith.constant 0 : i32
    %scan3A_144 = arith.constant 0 : i32
    %scan3A_145 = arith.constant 128 : i32
    %scan3A_146 = arith.addi %scan3A_144, %scan3A_145 : i32
    %scan3A_147 = arith.constant 1 : i32
    scf.for %scan3A_236 = %scan3A_144 to %scan3A_146 step %scan3A_147  : i32 {
      %add3A_237 = arith.constant 256 : i32
      %add3A_238 = arith.addi %add3A_237, %scan3A_236 : i32
      %get3A = arith.index_cast %add3A_238 : i32 to index
      %get3A_239 = tpu.vector_load %arg13[%get3A] {strides = array<i32>} : memref<656xf32, #tpu.memory_space<vmem>>, vector<16xf32>,
      %slice3A = vector.extract_strided_slice %get3A_239 {offsets = [0], sizes = [1], strides = [1]} : vector<16xf32> to vector<1xf32>
      %squeeze3A = vector.extract %slice3A[0] : f32 from vector<1xf32>
      %get3A_240 = arith.index_cast %scan3A_236 : i32 to index
      %get3A_241 = arith.constant 0 : index
      %get3A_242 = tpu.vector_load %arg9[%get3A_240, %get3A_241] {strides = array<i32>} : memref<128x64xf32, #tpu.memory_space<vmem>>, vector<16xf32>,
      %mul3A_243 = vector.broadcast %squeeze3A : f32 to vector<16xf32>
      %mul3A_244 = arith.mulf %mul3A_243, %get3A_242 : vector<16xf32>
      %swap3A_245 = arith.index_cast %scan3A_236 : i32 to index
      %swap3A_246 = arith.constant 0 : index
      %swap3A_247 = tpu.vector_load %arg9[%swap3A_245, %swap3A_246] {strides = array<i32>} : memref<128x64xf32, #tpu.memory_space<vmem>>, vector<16xf32>,
      tpu.vector_store %arg9[%swap3A_245, %swap3A_246], %mul3A_244 {strides = array<i32>} : memref<128x64xf32, #tpu.memory_space<vmem>>, vector<16xf32>,
      %get3A_248 = arith.index_cast %scan3A_236 : i32 to index
      %get3A_249 = arith.constant 16 : index
      %get3A_250 = tpu.vector_load %arg9[%get3A_248, %get3A_249] {strides = array<i32>} : memref<128x64xf32, #tpu.memory_space<vmem>>, vector<16xf32>,
      %mul3A_251 = vector.broadcast %squeeze3A : f32 to vector<16xf32>
      %mul3A_252 = arith.mulf %mul3A_251, %get3A_250 : vector<16xf32>
      %swap3A_253 = arith.index_cast %scan3A_236 : i32 to index
      %swap3A_254 = arith.constant 16 : index
      %swap3A_255 = tpu.vector_load %arg9[%swap3A_253, %swap3A_254] {strides = array<i32>} : memref<128x64xf32, #tpu.memory_space<vmem>>, vector<16xf32>,
      tpu.vector_store %arg9[%swap3A_253, %swap3A_254], %mul3A_252 {strides = array<i32>} : memref<128x64xf32, #tpu.memory_space<vmem>>, vector<16xf32>,
      %get3A_256 = arith.index_cast %scan3A_236 : i32 to index
      %get3A_257 = arith.constant 32 : index
      %get3A_258 = tpu.vector_load %arg9[%get3A_256, %get3A_257] {strides = array<i32>} : memref<128x64xf32, #tpu.memory_space<vmem>>, vector<16xf32>,
      %mul3A_259 = vector.broadcast %squeeze3A : f32 to vector<16xf32>
      %mul3A_260 = arith.mulf %mul3A_259, %get3A_258 : vector<16xf32>
      %swap3A_261 = arith.index_cast %scan3A_236 : i32 to index
      %swap3A_262 = arith.constant 32 : index
      %swap3A_263 = tpu.vector_load %arg9[%swap3A_261, %swap3A_262] {strides = array<i32>} : memref<128x64xf32, #tpu.memory_space<vmem>>, vector<16xf32>,
      tpu.vector_store %arg9[%swap3A_261, %swap3A_262], %mul3A_260 {strides = array<i32>} : memref<128x64xf32, #tpu.memory_space<vmem>>, vector<16xf32>,
      %get3A_264 = arith.index_cast %scan3A_236 : i32 to index
      %get3A_265 = arith.constant 48 : index
      %get3A_266 = tpu.vector_load %arg9[%get3A_264, %get3A_265] {strides = array<i32>} : memref<128x64xf32, #tpu.memory_space<vmem>>, vector<16xf32>,
      %mul3A_267 = vector.broadcast %squeeze3A : f32 to vector<16xf32>
      %mul3A_268 = arith.mulf %mul3A_267, %get3A_266 : vector<16xf32>
      %swap3A_269 = arith.index_cast %scan3A_236 : i32 to index
      %swap3A_270 = arith.constant 48 : index
      %swap3A_271 = tpu.vector_load %arg9[%swap3A_269, %swap3A_270] {strides = array<i32>} : memref<128x64xf32, #tpu.memory_space<vmem>>, vector<16xf32>,
      tpu.vector_store %arg9[%swap3A_269, %swap3A_270], %mul3A_268 {strides = array<i32>} : memref<128x64xf32, #tpu.memory_space<vmem>>, vector<16xf32>,
    }
    %scan3A_148 = arith.constant 128 : i32
    %dma_start3A_149 = arith.constant 0 : i32
    %dma_start3A_150 = tpu.memref_slice %arg16[%add3A_128, %dma_start3A_149] : memref<10240x64xf32, #tpu.memory_space<vmem_shared>> -> memref<128x64xf32, #tpu.memory_space<vmem_shared>>
    %dma_start3A_151 = arith.constant 0 : i32
    %dma_start3A_152 = tpu.memref_slice %arg16[%add3A_128, %dma_start3A_151] : memref<10240x64xf32, #tpu.memory_space<vmem_shared>> -> memref<128x64xf32, #tpu.memory_space<vmem_shared>>
    tpu.enqueue_dma source(%arg9 : memref<128x64xf32, #tpu.memory_space<vmem>>) target(%dma_start3A_152 : memref<128x64xf32, #tpu.memory_space<vmem_shared>>) target_semaphore(%arg19 : memref<!tpu.dma_semaphore, #tpu.memory_space<semaphore_mem>>)
    %add3A_153 = arith.constant 384 : i32
    %add3A_154 = arith.addi %mul3A_2, %add3A_153 : i32
    %dma_wait3A_155 = arith.constant 0 : i32
    %dma_wait3A_156 = tpu.memref_slice %arg4[%add3A_138, %dma_wait3A_155] : memref<10240x64xf32, #tpu.memory_space<hbm>> -> memref<128x64xf32, #tpu.memory_space<hbm>>
    %dma_wait3A_157 = arith.constant 0 : i32
    %dma_wait3A_158 = tpu.memref_slice %arg4[%add3A_138, %dma_wait3A_157] : memref<10240x64xf32, #tpu.memory_space<hbm>> -> memref<128x64xf32, #tpu.memory_space<hbm>>
    tpu.wait_dma2 semaphore(%arg17 : memref<!tpu.dma_semaphore, #tpu.memory_space<semaphore_mem>>) src(%dma_wait3A_158 : memref<128x64xf32, #tpu.memory_space<hbm>>) dst(%arg10 : memref<128x64xf32, #tpu.memory_space<vmem>>)
    %dma_wait3A_159 = arith.constant 0 : i32
    %dma_wait3A_160 = tpu.memref_slice %arg16[%add3A_128, %dma_wait3A_159] : memref<10240x64xf32, #tpu.memory_space<vmem_shared>> -> memref<128x64xf32, #tpu.memory_space<vmem_shared>>
    %dma_wait3A_161 = arith.constant 0 : i32
    %dma_wait3A_162 = tpu.memref_slice %arg16[%add3A_128, %dma_wait3A_161] : memref<10240x64xf32, #tpu.memory_space<vmem_shared>> -> memref<128x64xf32, #tpu.memory_space<vmem_shared>>
    tpu.wait_dma2 semaphore(%arg19 : memref<!tpu.dma_semaphore, #tpu.memory_space<semaphore_mem>>) src(%arg9 : memref<128x64xf32, #tpu.memory_space<vmem>>) dst(%dma_wait3A_162 : memref<128x64xf32, #tpu.memory_space<vmem_shared>>)
    %add3A_163 = arith.constant 512 : i32
    %add3A_164 = arith.addi %mul3A_2, %add3A_163 : i32
    %dma_start3A_165 = arith.constant 0 : i32
    %dma_start3A_166 = tpu.memref_slice %arg4[%add3A_164, %dma_start3A_165] : memref<10240x64xf32, #tpu.memory_space<hbm>> -> memref<128x64xf32, #tpu.memory_space<hbm>>
    %dma_start3A_167 = arith.constant 0 : i32
    %dma_start3A_168 = tpu.memref_slice %arg4[%add3A_164, %dma_start3A_167] : memref<10240x64xf32, #tpu.memory_space<hbm>> -> memref<128x64xf32, #tpu.memory_space<hbm>>
    tpu.enqueue_dma source(%dma_start3A_168 : memref<128x64xf32, #tpu.memory_space<hbm>>) target(%arg9 : memref<128x64xf32, #tpu.memory_space<vmem>>) target_semaphore(%arg17 : memref<!tpu.dma_semaphore, #tpu.memory_space<semaphore_mem>>)
    %scan3A_169 = arith.constant 0 : i32
    %scan3A_170 = arith.constant 0 : i32
    %scan3A_171 = arith.constant 128 : i32
    %scan3A_172 = arith.addi %scan3A_170, %scan3A_171 : i32
    %scan3A_173 = arith.constant 1 : i32
    scf.for %scan3A_236 = %scan3A_170 to %scan3A_172 step %scan3A_173  : i32 {
      %add3A_237 = arith.constant 384 : i32
      %add3A_238 = arith.addi %add3A_237, %scan3A_236 : i32
      %get3A = arith.index_cast %add3A_238 : i32 to index
      %get3A_239 = tpu.vector_load %arg13[%get3A] {strides = array<i32>} : memref<656xf32, #tpu.memory_space<vmem>>, vector<16xf32>,
      %slice3A = vector.extract_strided_slice %get3A_239 {offsets = [0], sizes = [1], strides = [1]} : vector<16xf32> to vector<1xf32>
      %squeeze3A = vector.extract %slice3A[0] : f32 from vector<1xf32>
      %get3A_240 = arith.index_cast %scan3A_236 : i32 to index
      %get3A_241 = arith.constant 0 : index
      %get3A_242 = tpu.vector_load %arg10[%get3A_240, %get3A_241] {strides = array<i32>} : memref<128x64xf32, #tpu.memory_space<vmem>>, vector<16xf32>,
      %mul3A_243 = vector.broadcast %squeeze3A : f32 to vector<16xf32>
      %mul3A_244 = arith.mulf %mul3A_243, %get3A_242 : vector<16xf32>
      %swap3A_245 = arith.index_cast %scan3A_236 : i32 to index
      %swap3A_246 = arith.constant 0 : index
      %swap3A_247 = tpu.vector_load %arg10[%swap3A_245, %swap3A_246] {strides = array<i32>} : memref<128x64xf32, #tpu.memory_space<vmem>>, vector<16xf32>,
      tpu.vector_store %arg10[%swap3A_245, %swap3A_246], %mul3A_244 {strides = array<i32>} : memref<128x64xf32, #tpu.memory_space<vmem>>, vector<16xf32>,
      %get3A_248 = arith.index_cast %scan3A_236 : i32 to index
      %get3A_249 = arith.constant 16 : index
      %get3A_250 = tpu.vector_load %arg10[%get3A_248, %get3A_249] {strides = array<i32>} : memref<128x64xf32, #tpu.memory_space<vmem>>, vector<16xf32>,
      %mul3A_251 = vector.broadcast %squeeze3A : f32 to vector<16xf32>
      %mul3A_252 = arith.mulf %mul3A_251, %get3A_250 : vector<16xf32>
      %swap3A_253 = arith.index_cast %scan3A_236 : i32 to index
      %swap3A_254 = arith.constant 16 : index
      %swap3A_255 = tpu.vector_load %arg10[%swap3A_253, %swap3A_254] {strides = array<i32>} : memref<128x64xf32, #tpu.memory_space<vmem>>, vector<16xf32>,
      tpu.vector_store %arg10[%swap3A_253, %swap3A_254], %mul3A_252 {strides = array<i32>} : memref<128x64xf32, #tpu.memory_space<vmem>>, vector<16xf32>,
      %get3A_256 = arith.index_cast %scan3A_236 : i32 to index
      %get3A_257 = arith.constant 32 : index
      %get3A_258 = tpu.vector_load %arg10[%get3A_256, %get3A_257] {strides = array<i32>} : memref<128x64xf32, #tpu.memory_space<vmem>>, vector<16xf32>,
      %mul3A_259 = vector.broadcast %squeeze3A : f32 to vector<16xf32>
      %mul3A_260 = arith.mulf %mul3A_259, %get3A_258 : vector<16xf32>
      %swap3A_261 = arith.index_cast %scan3A_236 : i32 to index
      %swap3A_262 = arith.constant 32 : index
      %swap3A_263 = tpu.vector_load %arg10[%swap3A_261, %swap3A_262] {strides = array<i32>} : memref<128x64xf32, #tpu.memory_space<vmem>>, vector<16xf32>,
      tpu.vector_store %arg10[%swap3A_261, %swap3A_262], %mul3A_260 {strides = array<i32>} : memref<128x64xf32, #tpu.memory_space<vmem>>, vector<16xf32>,
      %get3A_264 = arith.index_cast %scan3A_236 : i32 to index
      %get3A_265 = arith.constant 48 : index
      %get3A_266 = tpu.vector_load %arg10[%get3A_264, %get3A_265] {strides = array<i32>} : memref<128x64xf32, #tpu.memory_space<vmem>>, vector<16xf32>,
      %mul3A_267 = vector.broadcast %squeeze3A : f32 to vector<16xf32>
      %mul3A_268 = arith.mulf %mul3A_267, %get3A_266 : vector<16xf32>
      %swap3A_269 = arith.index_cast %scan3A_236 : i32 to index
      %swap3A_270 = arith.constant 48 : index
      %swap3A_271 = tpu.vector_load %arg10[%swap3A_269, %swap3A_270] {strides = array<i32>} : memref<128x64xf32, #tpu.memory_space<vmem>>, vector<16xf32>,
      tpu.vector_store %arg10[%swap3A_269, %swap3A_270], %mul3A_268 {strides = array<i32>} : memref<128x64xf32, #tpu.memory_space<vmem>>, vector<16xf32>,
    }
    %scan3A_174 = arith.constant 128 : i32
    %dma_start3A_175 = arith.constant 0 : i32
    %dma_start3A_176 = tpu.memref_slice %arg16[%add3A_154, %dma_start3A_175] : memref<10240x64xf32, #tpu.memory_space<vmem_shared>> -> memref<128x64xf32, #tpu.memory_space<vmem_shared>>
    %dma_start3A_177 = arith.constant 0 : i32
    %dma_start3A_178 = tpu.memref_slice %arg16[%add3A_154, %dma_start3A_177] : memref<10240x64xf32, #tpu.memory_space<vmem_shared>> -> memref<128x64xf32, #tpu.memory_space<vmem_shared>>
    tpu.enqueue_dma source(%arg10 : memref<128x64xf32, #tpu.memory_space<vmem>>) target(%dma_start3A_178 : memref<128x64xf32, #tpu.memory_space<vmem_shared>>) target_semaphore(%arg19 : memref<!tpu.dma_semaphore, #tpu.memory_space<semaphore_mem>>)
    %add3A_179 = arith.constant 512 : i32
    %add3A_180 = arith.addi %mul3A_2, %add3A_179 : i32
    %dma_wait3A_181 = arith.constant 0 : i32
    %dma_wait3A_182 = tpu.memref_slice %arg4[%add3A_164, %dma_wait3A_181] : memref<10240x64xf32, #tpu.memory_space<hbm>> -> memref<128x64xf32, #tpu.memory_space<hbm>>
    %dma_wait3A_183 = arith.constant 0 : i32
    %dma_wait3A_184 = tpu.memref_slice %arg4[%add3A_164, %dma_wait3A_183] : memref<10240x64xf32, #tpu.memory_space<hbm>> -> memref<128x64xf32, #tpu.memory_space<hbm>>
    tpu.wait_dma2 semaphore(%arg17 : memref<!tpu.dma_semaphore, #tpu.memory_space<semaphore_mem>>) src(%dma_wait3A_184 : memref<128x64xf32, #tpu.memory_space<hbm>>) dst(%arg9 : memref<128x64xf32, #tpu.memory_space<vmem>>)
    %scan3A_185 = arith.constant 0 : i32
    %scan3A_186 = arith.constant 0 : i32
    %scan3A_187 = arith.constant 128 : i32
    %scan3A_188 = arith.addi %scan3A_186, %scan3A_187 : i32
    %scan3A_189 = arith.constant 1 : i32
    scf.for %scan3A_236 = %scan3A_186 to %scan3A_188 step %scan3A_189  : i32 {
      %add3A_237 = arith.constant 512 : i32
      %add3A_238 = arith.addi %add3A_237, %scan3A_236 : i32
      %get3A = arith.index_cast %add3A_238 : i32 to index
      %get3A_239 = tpu.vector_load %arg13[%get3A] {strides = array<i32>} : memref<656xf32, #tpu.memory_space<vmem>>, vector<16xf32>,
      %slice3A = vector.extract_strided_slice %get3A_239 {offsets = [0], sizes = [1], strides = [1]} : vector<16xf32> to vector<1xf32>
      %squeeze3A = vector.extract %slice3A[0] : f32 from vector<1xf32>
      %get3A_240 = arith.index_cast %scan3A_236 : i32 to index
      %get3A_241 = arith.constant 0 : index
      %get3A_242 = tpu.vector_load %arg9[%get3A_240, %get3A_241] {strides = array<i32>} : memref<128x64xf32, #tpu.memory_space<vmem>>, vector<16xf32>,
      %mul3A_243 = vector.broadcast %squeeze3A : f32 to vector<16xf32>
      %mul3A_244 = arith.mulf %mul3A_243, %get3A_242 : vector<16xf32>
      %swap3A_245 = arith.index_cast %scan3A_236 : i32 to index
      %swap3A_246 = arith.constant 0 : index
      %swap3A_247 = tpu.vector_load %arg9[%swap3A_245, %swap3A_246] {strides = array<i32>} : memref<128x64xf32, #tpu.memory_space<vmem>>, vector<16xf32>,
      tpu.vector_store %arg9[%swap3A_245, %swap3A_246], %mul3A_244 {strides = array<i32>} : memref<128x64xf32, #tpu.memory_space<vmem>>, vector<16xf32>,
      %get3A_248 = arith.index_cast %scan3A_236 : i32 to index
      %get3A_249 = arith.constant 16 : index
      %get3A_250 = tpu.vector_load %arg9[%get3A_248, %get3A_249] {strides = array<i32>} : memref<128x64xf32, #tpu.memory_space<vmem>>, vector<16xf32>,
      %mul3A_251 = vector.broadcast %squeeze3A : f32 to vector<16xf32>
      %mul3A_252 = arith.mulf %mul3A_251, %get3A_250 : vector<16xf32>
      %swap3A_253 = arith.index_cast %scan3A_236 : i32 to index
      %swap3A_254 = arith.constant 16 : index
      %swap3A_255 = tpu.vector_load %arg9[%swap3A_253, %swap3A_254] {strides = array<i32>} : memref<128x64xf32, #tpu.memory_space<vmem>>, vector<16xf32>,
      tpu.vector_store %arg9[%swap3A_253, %swap3A_254], %mul3A_252 {strides = array<i32>} : memref<128x64xf32, #tpu.memory_space<vmem>>, vector<16xf32>,
      %get3A_256 = arith.index_cast %scan3A_236 : i32 to index
      %get3A_257 = arith.constant 32 : index
      %get3A_258 = tpu.vector_load %arg9[%get3A_256, %get3A_257] {strides = array<i32>} : memref<128x64xf32, #tpu.memory_space<vmem>>, vector<16xf32>,
      %mul3A_259 = vector.broadcast %squeeze3A : f32 to vector<16xf32>
      %mul3A_260 = arith.mulf %mul3A_259, %get3A_258 : vector<16xf32>
      %swap3A_261 = arith.index_cast %scan3A_236 : i32 to index
      %swap3A_262 = arith.constant 32 : index
      %swap3A_263 = tpu.vector_load %arg9[%swap3A_261, %swap3A_262] {strides = array<i32>} : memref<128x64xf32, #tpu.memory_space<vmem>>, vector<16xf32>,
      tpu.vector_store %arg9[%swap3A_261, %swap3A_262], %mul3A_260 {strides = array<i32>} : memref<128x64xf32, #tpu.memory_space<vmem>>, vector<16xf32>,
      %get3A_264 = arith.index_cast %scan3A_236 : i32 to index
      %get3A_265 = arith.constant 48 : index
      %get3A_266 = tpu.vector_load %arg9[%get3A_264, %get3A_265] {strides = array<i32>} : memref<128x64xf32, #tpu.memory_space<vmem>>, vector<16xf32>,
      %mul3A_267 = vector.broadcast %squeeze3A : f32 to vector<16xf32>
      %mul3A_268 = arith.mulf %mul3A_267, %get3A_266 : vector<16xf32>
      %swap3A_269 = arith.index_cast %scan3A_236 : i32 to index
      %swap3A_270 = arith.constant 48 : index
      %swap3A_271 = tpu.vector_load %arg9[%swap3A_269, %swap3A_270] {strides = array<i32>} : memref<128x64xf32, #tpu.memory_space<vmem>>, vector<16xf32>,
      tpu.vector_store %arg9[%swap3A_269, %swap3A_270], %mul3A_268 {strides = array<i32>} : memref<128x64xf32, #tpu.memory_space<vmem>>, vector<16xf32>,
    }
    %scan3A_190 = arith.constant 128 : i32
    %dma_start3A_191 = arith.constant 0 : i32
    %dma_start3A_192 = tpu.memref_slice %arg16[%add3A_180, %dma_start3A_191] : memref<10240x64xf32, #tpu.memory_space<vmem_shared>> -> memref<128x64xf32, #tpu.memory_space<vmem_shared>>
    %dma_start3A_193 = arith.constant 0 : i32
    %dma_start3A_194 = tpu.memref_slice %arg16[%add3A_180, %dma_start3A_193] : memref<10240x64xf32, #tpu.memory_space<vmem_shared>> -> memref<128x64xf32, #tpu.memory_space<vmem_shared>>
    tpu.enqueue_dma source(%arg9 : memref<128x64xf32, #tpu.memory_space<vmem>>) target(%dma_start3A_194 : memref<128x64xf32, #tpu.memory_space<vmem_shared>>) target_semaphore(%arg19 : memref<!tpu.dma_semaphore, #tpu.memory_space<semaphore_mem>>)
    %dma_wait3A_195 = arith.constant 0 : i32
    %dma_wait3A_196 = tpu.memref_slice %arg16[%add3A_180, %dma_wait3A_195] : memref<10240x64xf32, #tpu.memory_space<vmem_shared>> -> memref<128x64xf32, #tpu.memory_space<vmem_shared>>
    %dma_wait3A_197 = arith.constant 0 : i32
    %dma_wait3A_198 = tpu.memref_slice %arg16[%add3A_180, %dma_wait3A_197] : memref<10240x64xf32, #tpu.memory_space<vmem_shared>> -> memref<128x64xf32, #tpu.memory_space<vmem_shared>>
    tpu.wait_dma2 semaphore(%arg19 : memref<!tpu.dma_semaphore, #tpu.memory_space<semaphore_mem>>) src(%arg9 : memref<128x64xf32, #tpu.memory_space<vmem>>) dst(%dma_wait3A_198 : memref<128x64xf32, #tpu.memory_space<vmem_shared>>)
    %dma_wait3A_199 = arith.constant 0 : i32
    %dma_wait3A_200 = tpu.memref_slice %arg16[%add3A_154, %dma_wait3A_199] : memref<10240x64xf32, #tpu.memory_space<vmem_shared>> -> memref<128x64xf32, #tpu.memory_space<vmem_shared>>
    %dma_wait3A_201 = arith.constant 0 : i32
    %dma_wait3A_202 = tpu.memref_slice %arg16[%add3A_154, %dma_wait3A_201] : memref<10240x64xf32, #tpu.memory_space<vmem_shared>> -> memref<128x64xf32, #tpu.memory_space<vmem_shared>>
    tpu.wait_dma2 semaphore(%arg19 : memref<!tpu.dma_semaphore, #tpu.memory_space<semaphore_mem>>) src(%arg10 : memref<128x64xf32, #tpu.memory_space<vmem>>) dst(%dma_wait3A_202 : memref<128x64xf32, #tpu.memory_space<vmem_shared>>)
    %dma_wait3A_203 = arith.constant 0 : i32
    %dma_wait3A_204 = arith.constant 0 : i32
    %dma_wait3A_205 = tpu.memref_slice %arg3[%add3A, %dma_wait3A_203, %dma_wait3A_204] : memref<32x80x128xi32, #tpu.memory_space<hbm>> -> memref<1x80x128xi32, #tpu.memory_space<hbm>>
    %dma_wait3A_206 = tpu.memref_squeeze %dma_wait3A_205 : memref<1x80x128xi32, #tpu.memory_space<hbm>> -> memref<80x128xi32, #tpu.memory_space<hbm>>
    %dma_wait3A_207 = arith.constant 0 : i32
    %dma_wait3A_208 = arith.constant 0 : i32
    %dma_wait3A_209 = tpu.memref_slice %arg3[%add3A, %dma_wait3A_207, %dma_wait3A_208] : memref<32x80x128xi32, #tpu.memory_space<hbm>> -> memref<1x80x128xi32, #tpu.memory_space<hbm>>
    %dma_wait3A_210 = tpu.memref_squeeze %dma_wait3A_209 : memref<1x80x128xi32, #tpu.memory_space<hbm>> -> memref<80x128xi32, #tpu.memory_space<hbm>>
    tpu.wait_dma2 semaphore(%arg18 : memref<!tpu.dma_semaphore, #tpu.memory_space<semaphore_mem>>) src(%dma_wait3A_210 : memref<80x128xi32, #tpu.memory_space<hbm>>) dst(%arg8 : memref<80x128xi32, #tpu.memory_space<vmem>>)
    %barrier3A_211 = arith.constant 0 : index
    tpu.barrier barrier_id(%barrier3A_211)
    %dma_start3A_212 = arith.constant 0 : i32
    %dma_start3A_213 = tpu.memref_slice %arg7[%dma_start3A_212] : memref<10240xi32, #tpu.memory_space<vmem>> -> memref<128xi32, #tpu.memory_space<vmem>>
    %dma_start3A_214 = arith.constant 0 : i32
    %dma_start3A_215 = arith.constant 0 : i32
    %dma_start3A_216 = tpu.memref_slice %arg16[%dma_start3A_214, %dma_start3A_215] : memref<10240x64xf32, #tpu.memory_space<vmem_shared>> -> memref<10240x64xf32, #tpu.memory_space<vmem_shared>>
    tpu.enqueue_indirect_dma source(%dma_start3A_216 : memref<10240x64xf32, #tpu.memory_space<vmem_shared>>) target(%arg9 : memref<128x64xf32, #tpu.memory_space<vmem>>) offsets(%dma_start3A_213 : memref<128xi32, #tpu.memory_space<vmem>>) semaphore(%arg17 : memref<!tpu.dma_semaphore, #tpu.memory_space<semaphore_mem>>)
    %scan3A_217 = arith.constant 0 : i32
    %scan3A_218 = arith.constant 0 : i32
    %scan3A_219 = arith.constant 40 : i32
    %scan3A_220 = arith.addi %scan3A_218, %scan3A_219 : i32
    %scan3A_221 = arith.constant 1 : i32
    scf.for %scan3A_236 = %scan3A_218 to %scan3A_220 step %scan3A_221  : i32 {
      %mul3A_237 = arith.constant 2 : i32
      %mul3A_238 = arith.muli %mul3A_237, %scan3A_236 : i32
      %add3A_239 = arith.constant 1 : i32
      %add3A_240 = arith.addi %mul3A_238, %add3A_239 : i32
      %mul3A_241 = arith.constant 128 : i32
      %mul3A_242 = arith.muli %mul3A_238, %mul3A_241 : i32
      %dma_wait3A_243 = tpu.memref_slice %arg7[%mul3A_242] : memref<10240xi32, #tpu.memory_space<vmem>> -> memref<128xi32, #tpu.memory_space<vmem>>
      %dma_wait3A_244 = arith.constant 0 : i32
      %dma_wait3A_245 = arith.constant 0 : i32
      %dma_wait3A_246 = tpu.memref_slice %arg16[%dma_wait3A_244, %dma_wait3A_245] : memref<10240x64xf32, #tpu.memory_space<vmem_shared>> -> memref<10240x64xf32, #tpu.memory_space<vmem_shared>>
      tpu.wait_indirect_dma semaphore(%arg17 : memref<!tpu.dma_semaphore, #tpu.memory_space<semaphore_mem>>) src(%dma_wait3A_246 : memref<10240x64xf32, #tpu.memory_space<vmem_shared>>) dst(%arg9 : memref<128x64xf32, #tpu.memory_space<vmem>>)
      %mul3A_247 = arith.constant 128 : i32
      %mul3A_248 = arith.muli %add3A_240, %mul3A_247 : i32
      %dma_start3A_249 = tpu.memref_slice %arg7[%mul3A_248] : memref<10240xi32, #tpu.memory_space<vmem>> -> memref<128xi32, #tpu.memory_space<vmem>>
      %dma_start3A_250 = arith.constant 0 : i32
      %dma_start3A_251 = arith.constant 0 : i32
      %dma_start3A_252 = tpu.memref_slice %arg16[%dma_start3A_250, %dma_start3A_251] : memref<10240x64xf32, #tpu.memory_space<vmem_shared>> -> memref<10240x64xf32, #tpu.memory_space<vmem_shared>>
      tpu.enqueue_indirect_dma source(%dma_start3A_252 : memref<10240x64xf32, #tpu.memory_space<vmem_shared>>) target(%arg10 : memref<128x64xf32, #tpu.memory_space<vmem>>) offsets(%dma_start3A_249 : memref<128xi32, #tpu.memory_space<vmem>>) semaphore(%arg18 : memref<!tpu.dma_semaphore, #tpu.memory_space<semaphore_mem>>)
      "tpu.region"() ({
        %run_scoped3A = tpu.sem_alloc : memref<!tpu.dma_semaphore, #tpu.memory_space<semaphore_mem>>
        %dma_start3A_263 = arith.constant 0 : i32
        %dma_start3A_264 = tpu.memref_slice %arg8[%mul3A_238, %dma_start3A_263] : memref<80x128xi32, #tpu.memory_space<vmem>> -> memref<1x128xi32, #tpu.memory_space<vmem>>
        %dma_start3A_265 = tpu.memref_squeeze %dma_start3A_264 : memref<1x128xi32, #tpu.memory_space<vmem>> -> memref<128xi32, #tpu.memory_space<vmem>>
        %dma_start3A_266 = arith.constant 0 : i32
        %dma_start3A_267 = arith.constant 0 : i32
        %dma_start3A_268 = tpu.memref_slice %arg15[%dma_start3A_266, %dma_start3A_267] : memref<10240x64xf32, #tpu.memory_space<vmem_shared>> -> memref<10240x64xf32, #tpu.memory_space<vmem_shared>>
        tpu.enqueue_indirect_dma source(%arg9 : memref<128x64xf32, #tpu.memory_space<vmem>>) target(%dma_start3A_268 : memref<10240x64xf32, #tpu.memory_space<vmem_shared>>) offsets(%dma_start3A_265 : memref<128xi32, #tpu.memory_space<vmem>>) semaphore(%run_scoped3A : memref<!tpu.dma_semaphore, #tpu.memory_space<semaphore_mem>>) {add = true}
        %dma_wait3A_269 = arith.constant 0 : i32
        %dma_wait3A_270 = tpu.memref_slice %arg8[%mul3A_238, %dma_wait3A_269] : memref<80x128xi32, #tpu.memory_space<vmem>> -> memref<1x128xi32, #tpu.memory_space<vmem>>
        %dma_wait3A_271 = tpu.memref_squeeze %dma_wait3A_270 : memref<1x128xi32, #tpu.memory_space<vmem>> -> memref<128xi32, #tpu.memory_space<vmem>>
        %dma_wait3A_272 = arith.constant 0 : i32
        %dma_wait3A_273 = arith.constant 0 : i32
        %dma_wait3A_274 = tpu.memref_slice %arg15[%dma_wait3A_272, %dma_wait3A_273] : memref<10240x64xf32, #tpu.memory_space<vmem_shared>> -> memref<10240x64xf32, #tpu.memory_space<vmem_shared>>
        tpu.wait_indirect_dma semaphore(%run_scoped3A : memref<!tpu.dma_semaphore, #tpu.memory_space<semaphore_mem>>) src(%arg9 : memref<128x64xf32, #tpu.memory_space<vmem>>) dst(%dma_wait3A_274 : memref<10240x64xf32, #tpu.memory_space<vmem_shared>>)
        tpu.yield
      }) : () -> ()
      %mul3A_253 = arith.constant 128 : i32
      %mul3A_254 = arith.muli %add3A_240, %mul3A_253 : i32
      %dma_wait3A_255 = tpu.memref_slice %arg7[%mul3A_254] : memref<10240xi32, #tpu.memory_space<vmem>> -> memref<128xi32, #tpu.memory_space<vmem>>
      %dma_wait3A_256 = arith.constant 0 : i32
      %dma_wait3A_257 = arith.constant 0 : i32
      %dma_wait3A_258 = tpu.memref_slice %arg16[%dma_wait3A_256, %dma_wait3A_257] : memref<10240x64xf32, #tpu.memory_space<vmem_shared>> -> memref<10240x64xf32, #tpu.memory_space<vmem_shared>>
      tpu.wait_indirect_dma semaphore(%arg18 : memref<!tpu.dma_semaphore, #tpu.memory_space<semaphore_mem>>) src(%dma_wait3A_258 : memref<10240x64xf32, #tpu.memory_space<vmem_shared>>) dst(%arg10 : memref<128x64xf32, #tpu.memory_space<vmem>>)
      %lt3A = arith.constant 39 : i32
      %lt3A_259 = arith.cmpi slt, %scan3A_236, %lt3A : i32
      %convert_element_type3A_260 = arith.extui %lt3A_259 : i1 to i32
      %cond3A_261 = arith.constant 0 : i32
      %cond3A_262 = arith.cmpi ne, %convert_element_type3A_260, %cond3A_261 : i32
      scf.if %cond3A_262 {
        %add3A_263 = arith.constant 2 : i32
        %add3A_264 = arith.addi %mul3A_238, %add3A_263 : i32
        %mul3A_265 = arith.constant 128 : i32
        %mul3A_266 = arith.muli %add3A_264, %mul3A_265 : i32
        %dma_start3A_267 = tpu.memref_slice %arg7[%mul3A_266] : memref<10240xi32, #tpu.memory_space<vmem>> -> memref<128xi32, #tpu.memory_space<vmem>>
        %dma_start3A_268 = arith.constant 0 : i32
        %dma_start3A_269 = arith.constant 0 : i32
        %dma_start3A_270 = tpu.memref_slice %arg16[%dma_start3A_268, %dma_start3A_269] : memref<10240x64xf32, #tpu.memory_space<vmem_shared>> -> memref<10240x64xf32, #tpu.memory_space<vmem_shared>>
        tpu.enqueue_indirect_dma source(%dma_start3A_270 : memref<10240x64xf32, #tpu.memory_space<vmem_shared>>) target(%arg9 : memref<128x64xf32, #tpu.memory_space<vmem>>) offsets(%dma_start3A_267 : memref<128xi32, #tpu.memory_space<vmem>>) semaphore(%arg17 : memref<!tpu.dma_semaphore, #tpu.memory_space<semaphore_mem>>)
      } else {
      }
      "tpu.region"() ({
        %run_scoped3A = tpu.sem_alloc : memref<!tpu.dma_semaphore, #tpu.memory_space<semaphore_mem>>
        %dma_start3A_263 = arith.constant 0 : i32
        %dma_start3A_264 = tpu.memref_slice %arg8[%add3A_240, %dma_start3A_263] : memref<80x128xi32, #tpu.memory_space<vmem>> -> memref<1x128xi32, #tpu.memory_space<vmem>>
        %dma_start3A_265 = tpu.memref_squeeze %dma_start3A_264 : memref<1x128xi32, #tpu.memory_space<vmem>> -> memref<128xi32, #tpu.memory_space<vmem>>
        %dma_start3A_266 = arith.constant 0 : i32
        %dma_start3A_267 = arith.constant 0 : i32
        %dma_start3A_268 = tpu.memref_slice %arg15[%dma_start3A_266, %dma_start3A_267] : memref<10240x64xf32, #tpu.memory_space<vmem_shared>> -> memref<10240x64xf32, #tpu.memory_space<vmem_shared>>
        tpu.enqueue_indirect_dma source(%arg10 : memref<128x64xf32, #tpu.memory_space<vmem>>) target(%dma_start3A_268 : memref<10240x64xf32, #tpu.memory_space<vmem_shared>>) offsets(%dma_start3A_265 : memref<128xi32, #tpu.memory_space<vmem>>) semaphore(%run_scoped3A : memref<!tpu.dma_semaphore, #tpu.memory_space<semaphore_mem>>) {add = true}
        %dma_wait3A_269 = arith.constant 0 : i32
        %dma_wait3A_270 = tpu.memref_slice %arg8[%add3A_240, %dma_wait3A_269] : memref<80x128xi32, #tpu.memory_space<vmem>> -> memref<1x128xi32, #tpu.memory_space<vmem>>
        %dma_wait3A_271 = tpu.memref_squeeze %dma_wait3A_270 : memref<1x128xi32, #tpu.memory_space<vmem>> -> memref<128xi32, #tpu.memory_space<vmem>>
        %dma_wait3A_272 = arith.constant 0 : i32
        %dma_wait3A_273 = arith.constant 0 : i32
        %dma_wait3A_274 = tpu.memref_slice %arg15[%dma_wait3A_272, %dma_wait3A_273] : memref<10240x64xf32, #tpu.memory_space<vmem_shared>> -> memref<10240x64xf32, #tpu.memory_space<vmem_shared>>
        tpu.wait_indirect_dma semaphore(%run_scoped3A : memref<!tpu.dma_semaphore, #tpu.memory_space<semaphore_mem>>) src(%arg10 : memref<128x64xf32, #tpu.memory_space<vmem>>) dst(%dma_wait3A_274 : memref<10240x64xf32, #tpu.memory_space<vmem_shared>>)
        tpu.yield
      }) : () -> ()
    }
    %scan3A_222 = arith.constant 40 : i32
    %barrier3A_223 = arith.constant 0 : index
    tpu.barrier barrier_id(%barrier3A_223)
    %scan3A_224 = arith.constant 0 : i32
    %scan3A_225 = arith.constant 0 : i32
    %scan3A_226 = arith.constant 5 : i32
    %scan3A_227 = arith.addi %scan3A_225, %scan3A_226 : i32
    %scan3A_228 = arith.constant 1 : i32
    scf.for %scan3A_236 = %scan3A_225 to %scan3A_227 step %scan3A_228  : i32 {
      %mul3A_237 = arith.constant 640 : i32
      %mul3A_238 = arith.muli %arg1, %mul3A_237 : i32
      %mul3A_239 = arith.constant 128 : i32
      %mul3A_240 = arith.muli %scan3A_236, %mul3A_239 : i32
      %add3A_241 = arith.addi %mul3A_238, %mul3A_240 : i32
      %dma_start3A_242 = arith.constant 0 : i32
      %dma_start3A_243 = tpu.memref_slice %arg5[%arg0, %add3A_241, %dma_start3A_242] : memref<2x10240x64xf32, #tpu.memory_space<hbm>> -> memref<1x128x64xf32, #tpu.memory_space<hbm>>
      %dma_start3A_244 = tpu.memref_squeeze %dma_start3A_243 : memref<1x128x64xf32, #tpu.memory_space<hbm>> -> memref<128x64xf32, #tpu.memory_space<hbm>>
      %dma_start3A_245 = arith.constant 0 : i32
      %dma_start3A_246 = tpu.memref_slice %arg15[%add3A_241, %dma_start3A_245] : memref<10240x64xf32, #tpu.memory_space<vmem_shared>> -> memref<128x64xf32, #tpu.memory_space<vmem_shared>>
      tpu.enqueue_dma source(%dma_start3A_246 : memref<128x64xf32, #tpu.memory_space<vmem_shared>>) target(%dma_start3A_244 : memref<128x64xf32, #tpu.memory_space<hbm>>) target_semaphore(%arg17 : memref<!tpu.dma_semaphore, #tpu.memory_space<semaphore_mem>>)
    }
    %scan3A_229 = arith.constant 5 : i32
    %scan3A_230 = arith.constant 0 : i32
    %scan3A_231 = arith.constant 0 : i32
    %scan3A_232 = arith.constant 5 : i32
    %scan3A_233 = arith.addi %scan3A_231, %scan3A_232 : i32
    %scan3A_234 = arith.constant 1 : i32
    scf.for %scan3A_236 = %scan3A_231 to %scan3A_233 step %scan3A_234  : i32 {
      %mul3A_237 = arith.constant 640 : i32
      %mul3A_238 = arith.muli %arg1, %mul3A_237 : i32
      %mul3A_239 = arith.constant 128 : i32
      %mul3A_240 = arith.muli %scan3A_236, %mul3A_239 : i32
      %add3A_241 = arith.addi %mul3A_238, %mul3A_240 : i32
      %dma_wait3A_242 = arith.constant 0 : i32
      %dma_wait3A_243 = tpu.memref_slice %arg5[%arg0, %add3A_241, %dma_wait3A_242] : memref<2x10240x64xf32, #tpu.memory_space<hbm>> -> memref<1x128x64xf32, #tpu.memory_space<hbm>>
      %dma_wait3A_244 = tpu.memref_squeeze %dma_wait3A_243 : memref<1x128x64xf32, #tpu.memory_space<hbm>> -> memref<128x64xf32, #tpu.memory_space<hbm>>
      %dma_wait3A_245 = arith.constant 0 : i32
      %dma_wait3A_246 = tpu.memref_slice %arg15[%add3A_241, %dma_wait3A_245] : memref<10240x64xf32, #tpu.memory_space<vmem_shared>> -> memref<128x64xf32, #tpu.memory_space<vmem_shared>>
      tpu.wait_dma2 semaphore(%arg17 : memref<!tpu.dma_semaphore, #tpu.memory_space<semaphore_mem>>) src(%dma_wait3A_246 : memref<128x64xf32, #tpu.memory_space<vmem_shared>>) dst(%dma_wait3A_244 : memref<128x64xf32, #tpu.memory_space<hbm>>)
    }
    %scan3A_235 = arith.constant 5 : i32
    return
  }
}

module attributes {stable_mosaic.version = 14 : i64} {
  func.func @_prep_body(%arg0: memref<10000x128xf32, #tpu.memory_space<vmem>>, %arg1: memref<128x64xf32, #tpu.memory_space<vmem>>, %arg2: memref<10240x64xf32, #tpu.memory_space<vmem>>) attributes {dimension_semantics = [], scalar_prefetch = 0 : i64, scratch_operands = 0 : i64, tpu.core_type = #tpu.core_type<tc>} {
    %get3A = arith.constant 0 : index
    %get3A_0 = arith.constant 0 : index
    %get3A_1 = vector.load %arg0[%get3A, %get3A_0] : memref<10000x128xf32, #tpu.memory_space<vmem>>, vector<10000x128xf32>
    %get3A_2 = arith.constant 0 : index
    %get3A_3 = arith.constant 0 : index
    %get3A_4 = vector.load %arg1[%get3A_2, %get3A_3] : memref<128x64xf32, #tpu.memory_space<vmem>>, vector<128x64xf32>
    %dot_general3A = arith.constant dense<0.000000e+00> : vector<10000x64xf32>
    %dot_general3A_5 = tpu.matmul %get3A_1, %get3A_4, %dot_general3A {dimension_numbers = #tpu.dot_dimension_numbers<[1], [0], [0], [1], [0, 0, 1, 1], [], []>, transpose_lhs_hint = false} : vector<10000x128xf32>, vector<128x64xf32>, vector<10000x64xf32> -> vector<10000x64xf32>
    %broadcast_in_dim3A = arith.constant 0.000000e+00 : f32
    %broadcast_in_dim3A_6 = vector.broadcast %broadcast_in_dim3A : f32 to vector<240x64xf32>
    %concatenate3A = tpu.concatenate %dot_general3A_5, %broadcast_in_dim3A_6 in 0 : vector<10000x64xf32>, vector<240x64xf32> -> vector<10240x64xf32>
    %swap3A = arith.constant 0 : index
    %swap3A_7 = arith.constant 0 : index
    %swap3A_8 = vector.load %arg2[%swap3A, %swap3A_7] : memref<10240x64xf32, #tpu.memory_space<vmem>>, vector<10240x64xf32>
    tpu.vector_store %arg2[%swap3A, %swap3A_7], %concatenate3A {strides = array<i32>} : memref<10240x64xf32, #tpu.memory_space<vmem>>, vector<10240x64xf32>,
    return
  }
}

module attributes {stable_mosaic.version = 14 : i64} {
  func.func @_mid_body(%arg0: memref<2x10240x64xf32, #tpu.memory_space<vmem>>, %arg1: memref<10240x64xf32, #tpu.memory_space<vmem>>, %arg2: memref<10240x1xf32, #tpu.memory_space<vmem>>, %arg3: memref<1x64xf32, #tpu.memory_space<vmem>>, %arg4: memref<1x64xf32, #tpu.memory_space<vmem>>, %arg5: memref<12288x1xf32, #tpu.memory_space<vmem>>, %arg6: memref<12288x1xf32, #tpu.memory_space<vmem>>) attributes {dimension_semantics = [], scalar_prefetch = 0 : i64, scratch_operands = 0 : i64, tpu.core_type = #tpu.core_type<tc>} {
    %get3A = arith.constant 0 : index
    %get3A_0 = arith.constant 0 : index
    %get3A_1 = vector.load %arg2[%get3A, %get3A_0] : memref<10240x1xf32, #tpu.memory_space<vmem>>, vector<10240x1xf32>
    %get3A_2 = arith.constant 0 : index
    %get3A_3 = arith.constant 0 : index
    %get3A_4 = vector.load %arg1[%get3A_2, %get3A_3] : memref<10240x64xf32, #tpu.memory_space<vmem>>, vector<10240x64xf32>
    %mul3A = vector.broadcast %get3A_1 : vector<10240x1xf32> to vector<10240x64xf32>
    %mul3A_5 = arith.mulf %mul3A, %get3A_4 : vector<10240x64xf32>
    %get3A_6 = arith.constant 0 : index
    %get3A_7 = arith.constant 0 : index
    %get3A_8 = arith.constant 0 : index
    %get3A_9 = vector.load %arg0[%get3A_6, %get3A_7, %get3A_8] : memref<2x10240x64xf32, #tpu.memory_space<vmem>>, vector<1x10240x64xf32>
    %get3A_10 = vector.shape_cast %get3A_9 : vector<1x10240x64xf32> to vector<10240x64xf32>
    %get3A_11 = arith.constant 1 : index
    %get3A_12 = arith.constant 0 : index
    %get3A_13 = arith.constant 0 : index
    %get3A_14 = vector.load %arg0[%get3A_11, %get3A_12, %get3A_13] : memref<2x10240x64xf32, #tpu.memory_space<vmem>>, vector<1x10240x64xf32>
    %get3A_15 = vector.shape_cast %get3A_14 : vector<1x10240x64xf32> to vector<10240x64xf32>
    %add3A = arith.addf %get3A_10, %get3A_15 : vector<10240x64xf32>
    %add3A_16 = arith.addf %add3A, %mul3A_5 : vector<10240x64xf32>
    %mul3A_17 = vector.broadcast %get3A_1 : vector<10240x1xf32> to vector<10240x64xf32>
    %mul3A_18 = arith.mulf %mul3A_17, %add3A_16 : vector<10240x64xf32>
    %get3A_19 = arith.constant 0 : index
    %get3A_20 = arith.constant 0 : index
    %get3A_21 = vector.load %arg3[%get3A_19, %get3A_20] : memref<1x64xf32, #tpu.memory_space<vmem>>, vector<1x64xf32>
    %add3A_22 = vector.broadcast %get3A_21 : vector<1x64xf32> to vector<10240x64xf32>
    %add3A_23 = arith.addf %mul3A_18, %add3A_22 : vector<10240x64xf32>
    %max3A = arith.constant 0.000000e+00 : f32
    %max3A_24 = vector.broadcast %max3A : f32 to vector<10240x64xf32>
    %max3A_25 = arith.maximumf %add3A_23, %max3A_24 : vector<10240x64xf32>
    %get3A_26 = arith.constant 0 : index
    %get3A_27 = arith.constant 0 : index
    %get3A_28 = vector.load %arg4[%get3A_26, %get3A_27] : memref<1x64xf32, #tpu.memory_space<vmem>>, vector<1x64xf32>
    %mul3A_29 = vector.broadcast %get3A_28 : vector<1x64xf32> to vector<10240x64xf32>
    %mul3A_30 = arith.mulf %max3A_25, %mul3A_29 : vector<10240x64xf32>
    %reduce_sum3A = arith.constant dense<0.000000e+00> : vector<10240xf32>
    %reduce_sum3A_31 = vector.multi_reduction <add>, %mul3A_30, %reduce_sum3A [1] : vector<10240x64xf32> to vector<10240xf32>
    %broadcast_in_dim3A = vector.shape_cast %reduce_sum3A_31 : vector<10240xf32> to vector<10240x1xf32>
    %broadcast_in_dim3A_32 = arith.constant 0.000000e+00 : f32
    %broadcast_in_dim3A_33 = vector.broadcast %broadcast_in_dim3A_32 : f32 to vector<2048x1xf32>
    %mul3A_34 = arith.mulf %get3A_1, %broadcast_in_dim3A : vector<10240x1xf32>
    %concatenate3A = tpu.concatenate %mul3A_34, %broadcast_in_dim3A_33 in 0 : vector<10240x1xf32>, vector<2048x1xf32> -> vector<12288x1xf32>
    %swap3A = arith.constant 0 : index
    %swap3A_35 = arith.constant 0 : index
    %swap3A_36 = vector.load %arg5[%swap3A, %swap3A_35] : memref<12288x1xf32, #tpu.memory_space<vmem>>, vector<12288x1xf32>
    tpu.vector_store %arg5[%swap3A, %swap3A_35], %concatenate3A {strides = array<i32>} : memref<12288x1xf32, #tpu.memory_space<vmem>>, vector<12288x1xf32>,
    %concatenate3A_37 = tpu.concatenate %get3A_1, %broadcast_in_dim3A_33 in 0 : vector<10240x1xf32>, vector<2048x1xf32> -> vector<12288x1xf32>
    %swap3A_38 = arith.constant 0 : index
    %swap3A_39 = arith.constant 0 : index
    %swap3A_40 = vector.load %arg6[%swap3A_38, %swap3A_39] : memref<12288x1xf32, #tpu.memory_space<vmem>>, vector<12288x1xf32>
    tpu.vector_store %arg6[%swap3A_38, %swap3A_39], %concatenate3A_37 {strides = array<i32>} : memref<12288x1xf32, #tpu.memory_space<vmem>>, vector<12288x1xf32>,
    return
  }
}

</mosaic_0001>

<sc_bundles>
// kernel: kernel.6.cloned.1.call-start
scs
__scs_entry_jumppad:
0x0: {  	(pc) =	sbr.rel $0x88, $3  }
0x1: {  	(tag) =	ssettag $0x0;
	lr =	simm.s32 $0x1  }
0x2: {  	[smem:$0x3F9B] =	sst lr;
	_ =	strace $0xD0000000  }
0x3: {  	_ = 	snop  }
0x4: {  	_ = 	snop  }
0x5: {  	_ = 	snop  }
0x6: {  	_ = 	snop  }
0x7: {  	_ = 	snop  }
__scs_overlays_trampoline_lowered:
0x8: {  	[smem:$0x3FAA] =	sst s0  }
0x9: {  	[smem:$0x3FAB] =	sst s1  }
0xa: {  	[smem:$0x3FAC] =	sst s2  }
0xb: {  	[smem:$0x3FAD] =	sst s3  }
0xc: {  	[smem:$0x3FAE] =	sst s4  }
0xd: {  	[smem:$0x3FAF] =	sst s5  }
0xe: {  	[smem:$0x3FB0] =	sst s6  }
0xf: {  	[smem:$0x3FB1] =	sst s7  }
0x10: {  	[smem:$0x3FB2] =	sst s8  }
0x11: {  	[smem:$0x3FB3] =	sst s9;
	s0 =	simm.s32 @!p0 $0x0  }
0x12: {  	s1 =	sld [smem:$0x3F99];
	s0 =	simm.s32 @p0 $0x1  }
0x13: {  	[smem:$0x3FB4] =	sst s0;
	s0 =	simm.s32 @!p1 $0x0  }
0x14: {  	s2 =	sld [smem:$0x3F98];
	s0 =	simm.s32 @p1 $0x1  }
0x15: {  	[smem:$0x3FB5] =	sst s0;
	s0 =	simm.s32 @!p2 $0x0  }
0x16: {  	s3 =	sld [smem:$0x3FDB];
	s0 =	simm.s32 @p2 $0x1  }
0x17: {  	s4 =	simm.s32 $0x1BF5;
	[smem:$0x3FB7] =	sst s0  }
0x18: {  	s0 =	sld [smem:$0x3F9A];
	_ =	swait.ge [sflag:s4], $0x0  }
0x19: {  	s7 =	sld [smem:$0x3F9B]  }
0x1a: {  	s8 =	sadd.s32 $0xFFFFE003, lr  }
0x1b: {  	s9 =	sadd.s32 $0xFFFFFEF7, lr;
	s5 =	simm.s32 $0xFFFFFFFF;
	p2 =	slt.u32 s8, $0xFFFFF086  }
0x1c: {  	p1 =	slt.u32 s9, $0xF7A;
	s5 =	simm.s32 @!p2 $0x0  }
0x1d: {  	s5 =	simm.s32 @p1 $0x1;
	p0 =	seq.s32 s7, s2  }
0x1e: {  	s7 =	smul.u32 @!p0 $0xF7A, s2;
	p2 =	seq.s32 @!p0 s5, $0x0  }
0x1f: {  	s9 =	smul.u32 $0xF7A, s1;
	s8 =	simm.s32 @!p0 $0x1BF5;
	p2 =	por !p2, p0  }
0x20: {  	[sflag:s8] =	ssyncset.s32 @!p0 $0xFFFFF086;
	s6 =	sadd.s32 @!p0 s3, s7;
	s7 =	simm.s32 @!p0 $0x108  }
0x21: {  	s3 =	sadd.s32 s3, s9;
	s6 =	sadd.s32 @!p0 $0x88, s6;
	s7 =	simm.s32 @p2 $0x1082  }
0x22: {  	[simem:s7], [sflag:s8] =	dma.local @!p0 [hbm:s6], $0xF7A  }
0x23: {  	s9 =	sor.u32 $0xD0000000, s2;
	s6 =	simm.s32 $0x108;
	_ =	swait.ge @!p0 [sflag:s8], $0x0  }
0x24: {  	s3 =	sadd.s32 $0x88, s3;
	s6 =	simm.s32 @!p1 $0x1082;
	[sflag:s4] =	ssyncset.s32 $0xFFFFF086  }
0x25: {  	[simem:s6], [sflag:s4] =	dma.local [hbm:s3], $0xF7A  }
0x26: {  	[smem:$0x3F9B] =	sst s1;
	(tag) =	ssettag s2;
	_ =	strace s9  }
0x27: {  	s1 =	sld [smem:$0x3FAB]  }
0x28: {  	s2 =	sld [smem:$0x3FAC]  }
0x29: {  	s4 =	sld [smem:$0x3FAE]  }
0x2a: {  	p0 =	seq.s32 s5, $0x0;
	s5 =	sld [smem:$0x3FAF]  }
0x2b: {  	s6 =	sld [smem:$0x3FB0]  }
0x2c: {  	s7 =	sld [smem:$0x3FB1]  }
0x2d: {  	s3 =	simm.s32 $0x108;
	s8 =	sld [smem:$0x3FB2]  }
0x2e: {  	s3 =	simm.s32 @!p0 $0x1082;
	s9 =	sld [smem:$0x3FB3]  }
0x2f: {  	lr =	sadd.s32 s0, s3;
	s0 =	sld [smem:$0x3FAA]  }
0x30: {  	s3 =	sld [smem:$0x3FAD]  }
0x31: {  	[smem:$0x3FB6] =	sst s10  }
0x32: {  	s10 =	sld [smem:$0x3FB4];
	_ =	sdelay $0x3  }
0x33: {  	p0 =	seq.s32 s10, $0x1;
	s10 =	sld [smem:$0x3FB6];
	_ =	sdelay $0x3  }
0x34: {  	[smem:$0x3FB6] =	sst s10  }
0x35: {  	s10 =	sld [smem:$0x3FB5];
	_ =	sdelay $0x3  }
0x36: {  	p1 =	seq.s32 s10, $0x1;
	s10 =	sld [smem:$0x3FB6];
	_ =	sdelay $0x3  }
0x37: {  	[smem:$0x3FB6] =	sst s10  }
0x38: {  	s10 =	sld [smem:$0x3FB7]  }
0x39: {  	_ = 	snop;
	(pc) =	sbr.ind lr, $3  }
0x3a: {  	_ = 	snop  }
0x3b: {  	_ = 	snop  }
0x3c: {  	p2 =	seq.s32 s10, $0x1;
	s10 =	sld [smem:$0x3FB6]  }
0x3d: {  	_ =	shalt  }
0x3e: {  	_ =	shalt  }
0x3f: {  	_ =	shalt  }
0x40: {  	_ =	shalt  }
0x41: {  	_ =	shalt  }
0x42: {  	_ =	shalt  }
0x43: {  	_ =	shalt  }
0x44: {  	_ =	shalt  }
0x45: {  	_ =	shalt  }
0x46: {  	_ =	shalt  }
0x47: {  	_ =	shalt  }
0x48: {  	_ =	shalt  }
0x49: {  	_ =	shalt  }
0x4a: {  	_ =	shalt  }
0x4b: {  	_ =	shalt  }
0x4c: {  	_ =	shalt  }
0x4d: {  	_ =	shalt  }
0x4e: {  	_ =	shalt  }
0x4f: {  	_ =	shalt  }
0x50: {  	_ =	shalt  }
0x51: {  	_ =	shalt  }
0x52: {  	_ =	shalt  }
0x53: {  	_ =	shalt  }
0x54: {  	_ =	shalt  }
0x55: {  	_ =	shalt  }
0x56: {  	_ =	shalt  }
0x57: {  	_ =	shalt  }
0x58: {  	_ =	shalt  }
0x59: {  	_ =	shalt  }
0x5a: {  	_ =	shalt  }
0x5b: {  	_ =	shalt  }
0x5c: {  	_ =	shalt  }
0x5d: {  	_ =	shalt  }
0x5e: {  	_ =	shalt  }
0x5f: {  	_ =	shalt  }
0x60: {  	_ =	shalt  }
0x61: {  	_ =	shalt  }
0x62: {  	_ =	shalt  }
0x63: {  	_ =	shalt  }
0x64: {  	_ =	shalt  }
0x65: {  	_ =	shalt  }
0x66: {  	_ =	shalt  }
0x67: {  	_ =	shalt  }
0x68: {  	_ =	shalt  }
0x69: {  	_ =	shalt  }
0x6a: {  	_ =	shalt  }
0x6b: {  	_ =	shalt  }
0x6c: {  	_ =	shalt  }
0x6d: {  	_ =	shalt  }
0x6e: {  	_ =	shalt  }
0x6f: {  	_ =	shalt  }
0x70: {  	_ =	shalt  }
0x71: {  	_ =	shalt  }
0x72: {  	_ =	shalt  }
0x73: {  	_ =	shalt  }
0x74: {  	_ =	shalt  }
0x75: {  	_ =	shalt  }
0x76: {  	_ =	shalt  }
0x77: {  	_ =	shalt  }
0x78: {  	_ =	shalt  }
0x79: {  	_ =	shalt  }
0x7a: {  	_ =	shalt  }
0x7b: {  	_ =	shalt  }
0x7c: {  	_ =	shalt  }
0x7d: {  	_ =	shalt  }
0x7e: {  	_ =	shalt  }
0x7f: {  	_ =	shalt  }
0x80: {  	_ =	shalt  }
0x81: {  	_ =	shalt  }
0x82: {  	_ =	shalt  }
0x83: {  	_ =	shalt  }
0x84: {  	_ =	shalt  }
0x85: {  	_ =	shalt  }
0x86: {  	_ =	shalt  }
0x87: {  	_ =	shalt  }
.Lfunc_end0:
.L_simem_size_0:
called_computation_lowered:
.L_overlay_start_0:
0x88: {  	s2 =	sld [smem:$0x3FD9]  }
0x89: {  	s3 =	sld [smem:$0x3FFE];
	_ =	sdelay $0x1  }
0x8a: {  	s1 =	srdreg.scid  }
0x8b: {  	s0 =	sand.u32 $0x1, s1  }
0x8c: {  	s17 =	sshll.u32 s0, $0xA;
	s2 =	sadd.s32 s3, s2  }
0x8d: {  	s2 =	sadd.s32 s2, s17  }
0x8e: {  	[smem:$0x3FC2] =	sst s2  }
0x8f: {  	_ = 	snop  }
0x90: {  	s2 =	sld [smem:$0x3FD0];
	(tm) =	ssettm $0x1  }
0x91: {  	s18 =	sld [smem:$0x3FFB];
	_ =	sdelay $0x3  }
0x92: {  	_ =	strace s18  }
0x93: {  	s3 =	sld [smem:$0x3FFC];
	_ =	sdelay $0x3  }
0x94: {  	_ =	strace s3  }
0x95: {  	s3 =	sld [smem:$0x3FFD];
	_ =	sdelay $0x3  }
0x96: {  	_ =	strace s3  }
0x97: {  	_ =	strace $0x8FFFFFFF  }
0x98: {  	s19 =	sld [smem:$0x3FDB];
	_ =	sdelay $0x1  }
0x99: {  	s4 =	simm.s32 $_scs_section_size  }
0x9a: {  	s5 =	simm.s32 $_size__tile_overlayer_lowered;
	s6 =	simm.s32 $_tile_overlayer_lowered  }
0x9b: {  	s22 =	simm.s32 $0x1BFF;
	s21 =	sshll.u32 s6, $0x1;
	s3 =	sadd.s32 s4, s19  }
0x9c: {  	s7 =	simm.s32 $0x0;
	s20 =	sshll.u32 s5, $0x1;
	s5 =	sadd.s32 s21, s3  }
0x9d: {  	[timem:s7], [sflag:s22] =	dma.local [hbm:s5], s20  }
0x9e: {  	_ =	swait.ge [sflag:s22], s20  }
0x9f: {  	s4 =	ssub.s32 $0x0, s20;
	[sflag:s22] =	ssyncset.done $0x0  }
0xa0: {  	[sflag:s22] =	ssyncadd.s32 s4;
	_ =	sdelay $0x1  }
0xa1: {  	s23 =	simm.s32 $0x1B8B  }
0xa2: {  	_ =	swait.ge [sflag:s23], $0x1  }
0xa3: {  	[sflag:s23] =	ssyncset.done $0x0  }
0xa4: {  	s25 =	simm.s32 $0x1B8E;
	s24 =	sld [smem:$0x3FFE];
	[sflag:s23] =	ssyncadd.s32 $0xFFFFFFFF  }
0xa5: {  	s26 =	simm.s32 $execute0_lowered;
	[smem:$0x3FD2] =	sst s25  }
0xa6: {  	s5 =	sshll.u32 s26, $0x1;
	_ =	strace $0x80000046;
	[dreg:$0x1] =	wrdreg $0xFFFFFFFF  }
0xa7: {  	s28 =	simm.s32 $_size_execute0_lowered;
	s3 =	sadd.s32 s3, s5;
	[dreg:$0x0] =	wrdreg $0x0  }
0xa8: {  	s5 =	sshll.u32 s28, $0x1;
	[dreg:$0x2] =	wrdreg s3  }
0xa9: {  	[dreg:$0x3] =	wrdreg s5  }
0xaa: {  	[dreg:$0x4] =	wrdreg $0xC0  }
0xab: {  	_ =	task [dreg:s7], $0x5FFFF  }
0xac: {  	[dreg:$0x1] =	wrdreg $0xFFFFFFFF  }
0xad: {  	[dreg:$0x0] =	wrdreg $0x60  }
0xae: {  	[dreg:$0x2] =	wrdreg s24  }
0xaf: {  	[dreg:$0x3] =	wrdreg s2  }
0xb0: {  	[dreg:$0x4] =	wrdreg $0x95900  }
0xb1: {  	[dreg:$0x5] =	wrdreg $0x98100  }
0xb2: {  	[dreg:$0x6] =	wrdreg $0x138100  }
0xb3: {  	[dreg:$0x7] =	wrdreg $0x9  }
0xb4: {  	_ =	task.clear_ibuf [dreg:s7], $0x8FFFF;
	_ =	strace $0x90000046  }
0xb5: {  	s29 =	simm.s32 $0x9;
	_ =	strace $0x80000048  }
0xb6: {  	_ =	swait.ge [sflag:s29], $0x1  }
0xb7: {  	[sflag:s29] =	ssyncadd.s32 $0xFFFFFFFF  }
0xb8: {  	_ =	strace $0x90000048  }
0xb9: {  	_ =	sfence  }
0xba: {  	s30 =	sld [smem:$0x0];
	_ =	sdelay $0x2  }
0xbb: {  	s31 =	sshll.u32 s1, $0xD;
	s1 =	sshrl.u32 s1, $0x2  }
0xbc: {  	s3 =	sand.u32 $0x4000, s31;
	s1 =	sadd.s32 s1, s30  }
0xbd: {  	s0 =	sor.u32 s3, s0;
	s1 =	sshll.u32 s1, $0x11  }
0xbe: {  	s0 =	sor.u32 s1, s0  }
0xbf: {  	s0 =	sadd.s32 $0x8F2B, s0  }
0xc0: {  	[sflag:s0] =	ssyncadd.remote.s32 $0x1  }
0xc1: {  	_ =	sfence.sel $0xFFFF  }
0xc2: {  	[dreg:$0x0] =	wrdreg $0xFFFFFFFF;
	(pc) =	sbr.abs _section_cstart, $3  }
0xc3: {  	[dreg:$0x1] =	wrdreg $0xFFFFFFFF  }
0xc4: {  	_ =	task.clear_ibuf [dreg:s7], $0x2FFFF;
	_ =	strace $0x9FFFFFFF  }
0xc5: {  	(tm) =	ssettm $0x7FFFFFFF  }
tec
execute0_lowered:
.L_overlay_start_1:
0x0: {  	(tag) =	ssettag $0x1  }
0x1: {  	s0 =	srdreg.scid;
	s2 =	rddreg [dreg:$0x0]  }
0x2: {  	s18 =	stileid.u32;
	s3 =	rddreg [dreg:$0x1]  }
0x3: {  	s5 =	simm.s32 $0x0;
	s0 =	sand.u32 $0x1, s0;
	s24 =	smul.u32 $0x280, s18  }
0x4: {  	s1 =	sshll.u32 s18, $0x1;
	[smem:$0x7FF] =	sst s5;
	s9 =	smul.u32 $0xA000, s18  }
0x5: {  	s6 =	sadd.s32 $0x14600, s2;
	s7 =	sadd.s32 $0x28600, s2;
	s15 =	smul.u32 $0xA00, s18  }
0x6: {  	s4 =	sor.u32 s0, s1;
	s1 =	rddreg [dreg:$0x2];
	s12 =	smul.u32 $0xA0000, s0  }
0x7: {  	s8 =	ssub.s32 $0x2, s0;
	p0 =	sne.s32 s0, $0x0;
	s4 =	smul.u32 $0x500, s4  }
0x8: {  	s10 =	sshrl.u32 s8, $0x1;
	s11 =	sshrl.u32 s24, $0x3;
	s21 =	sshrl.u32 s9, $0x3  }
0x9: {  	s14 =	sadd.s32 $0x8000, s9;
	s0 =	sadd.s32 s24, s1;
	s8 =	ssub.s32 s8, s10  }
0xa: {  	s3 =	sadd.s32 s3, s11;
	s11 =	sadd.s32 $0x6000, s9;
	s16 =	sadd.s32 s12, s9  }
0xb: {  	s5 =	sadd.s32 s4, s2;
	s2 =	sadd.s32 $0x3C600, s2;
	[dreg:$0x6] =	wrdreg s3  }
0xc: {  	s3 =	sadd.s32 $0x2000, s9;
	s4 =	sadd.s32 s6, s4;
	s13 =	sshrl.u32 s11, $0x3  }
0xd: {  	s8 =	smax.u32 s8, $0x1;
	[dreg:$0x7] =	wrdreg s4;
	s4 =	sadd.s32 s7, s21  }
0xe: {  	s22 =	sshrl.u32 s3, $0x3;
	s26 =	sadd.s32 s7, s13;
	[dreg:$0x8] =	wrdreg s4  }
0xf: {  	s13 =	sshrl.u32 s14, $0x3;
	s17 =	sadd.s32 s12, s3;
	[dreg:$0xb] =	wrdreg s26  }
0x10: {  	s23 =	sadd.s32 s7, s22;
	s20 =	sshrl.u32 s17, $0x3;
	s17 =	rddreg [dreg:$0x4]  }
0x11: {  	s4 =	sadd.s32 $0x4000, s9;
	s26 =	smul.u32 $0x28000, s18;
	[dreg:$0x9] =	wrdreg s23  }
0x12: {  	s25 =	sshrl.u32 s4, $0x3;
	s19 =	sadd.s32 s12, s4;
	s23 =	sadd.s32 s12, s11  }
0x13: {  	s10 =	sadd.s32 s7, s25;
	s7 =	sadd.s32 s7, s13;
	s13 =	sadd.s32 s6, s15  }
0x14: {  	s6 =	sshrl.u32 s16, $0x3;
	s21 =	sshrl.u32 s19, $0x3;
	s16 =	rddreg [dreg:$0x3]  }
0x15: {  	s25 =	sadd.s32 s12, s14;
	s15 =	sadd.s32 s3, s17;
	[dreg:$0xa] =	wrdreg s10  }
0x16: {  	s19 =	sadd.s32 s4, s17;
	[dreg:$0xc] =	wrdreg s7;
	s6 =	sadd.s32 s2, s6  }
0x17: {  	s22 =	sadd.s32 s2, s21;
	s7 =	sshrl.u32 s25, $0x3;
	s10 =	sadd.s32 s9, s17  }
0x18: {  	s12 =	sadd.s32 s9, s16;
	s18 =	sadd.s32 s3, s16;
	s25 =	sadd.s32 s14, s17  }
0x19: {  	s28 =	smov.u32 s13;
	[dreg:$0xd] =	wrdreg s6;
	s6 =	sadd.s32 s2, s20  }
0x1a: {  	s9 =	simm.s32 $0x5000;
	[dreg:$0xe] =	wrdreg s6;
	s6 =	sshrl.u32 s23, $0x3  }
0x1b: {  	[dreg:$0xf] =	wrdreg s22;
	s20 =	sadd.s32 s4, s16;
	s6 =	sadd.s32 s2, s6  }
0x1c: {  	s22 =	sadd.s32 s11, s17;
	s2 =	sadd.s32 s2, s7;
	[dreg:$0x10] =	wrdreg s6  }
0x1d: {  	s29 =	sshrl.u32 s12, $0x3;
	s7 =	sadd.s32 $0x1E600, s5;
	[dreg:$0x11] =	wrdreg s2  }
0x1e: {  	s30 =	sshrl.u32 s18, $0x3;
	_ =	strace $0x80000047;
	[dreg:$0x12] =	wrdreg s7  }
0x1f: {  	s12 =	simm.s32 $0x2;
	s18 =	simm.s32 $0x80;
	[dreg:$0x13] =	wrdreg s8  }
0x20: {  	s23 =	sadd.s32 s11, s16;
	s31 =	sshrl.u32 s20, $0x3;
	[dreg:$0x14] =	wrdreg s10  }
0x21: {  	s20 =	simm.s32 $0x3;
	s11 =	simm.s32 $0x7000;
	[dreg:$0x15] =	wrdreg s15  }
0x22: {  	s6 =	sshrl.u32 s26, $0x2;
	s26 =	sadd.s32 s14, s16;
	[dreg:$0x16] =	wrdreg s19  }
0x23: {  	s14 =	simm.s32 $0x4;
	s21 =	sadd.s32 s6, s16;
	[dreg:$0x17] =	wrdreg s22  }
0x24: {  	[dreg:$0x18] =	wrdreg s25;
	s15 =	sshrl.u32 s23, $0x3;
	s2 =	sshrl.u32 s26, $0x3  }
0x25: {  	s8 =	sadd.s32 $0x500, s13;
	s10 =	simm.s32 $0x1;
	s13 =	simm.s32 $0x2800  }
0x26: {  	s19 =	simm.s32 $0x9000;
	s22 =	simm.s32 $0x0;
	s4 =	sadd.s32 $0x2000, s21  }
0x27: {  	v0 =	vimm.f32 $1.000000000e+00;
	v1 =	vimm.f32 $0.0e+00;
	s5 =	sadd.s32 $0x4000, s21;
	s6 =	sadd.s32 $0x6000, s21;
	s7 =	sadd.s32 $0x8000, s21  }
.LBB2_1:
0x28: {  	s3 =	simm.s32 $0x0;
	s23 =	rddreg [dreg:$0x12]  }
0x29: {  	[tilespmem:s3], [sflag:$0x1] =	stream.linear.gather [hbm4b:s23+s3], $0x2800, $0x38;
	[tilespmem:$0x1D810] =	vst v63  }
0x2a: {  	[tilespmem:$0x9000] =	vst v0  }
0x2b: {  	[tilespmem:$0x9010] =	vst v0  }
0x2c: {  	[tilespmem:$0x9020] =	vst v0  }
0x2d: {  	[tilespmem:$0x9030] =	vst v0  }
0x2e: {  	[tilespmem:$0x9040] =	vst v0  }
0x2f: {  	[tilespmem:$0x9050] =	vst v0  }
0x30: {  	[tilespmem:$0x9060] =	vst v0  }
0x31: {  	[tilespmem:$0x9070] =	vst v0  }
0x32: {  	[tilespmem:$0x9080] =	vst v1  }
0x33: {  	[tilespmem:$0x9090] =	vst v1  }
0x34: {  	[tilespmem:$0x90A0] =	vst v1  }
0x35: {  	[tilespmem:$0x90B0] =	vst v1  }
0x36: {  	[tilespmem:$0x90C0] =	vst v1  }
0x37: {  	[tilespmem:$0x90D0] =	vst v1  }
0x38: {  	[tilespmem:$0x90E0] =	vst v1  }
0x39: {  	[tilespmem:$0x90F0] =	vst v1  }
0x3a: {  	[tilespmem:$0x9100] =	vst v1  }
0x3b: {  	[tilespmem:$0x9110] =	vst v1  }
0x3c: {  	[tilespmem:$0x9120] =	vst v1  }
0x3d: {  	[tilespmem:$0x9130] =	vst v1  }
0x3e: {  	[tilespmem:$0x9140] =	vst v1  }
0x3f: {  	[tilespmem:$0x9150] =	vst v1  }
0x40: {  	[tilespmem:$0x9160] =	vst v1  }
0x41: {  	[tilespmem:$0x9170] =	vst v1  }
0x42: {  	[tilespmem:$0x9180] =	vst v1  }
0x43: {  	[tilespmem:$0x9190] =	vst v1  }
0x44: {  	[tilespmem:$0x91A0] =	vst v1  }
0x45: {  	[tilespmem:$0x91B0] =	vst v1  }
0x46: {  	[tilespmem:$0x91C0] =	vst v1  }
0x47: {  	[tilespmem:$0x91D0] =	vst v1  }
0x48: {  	[tilespmem:$0x91E0] =	vst v1  }
0x49: {  	[tilespmem:$0x91F0] =	vst v1  }
0x4a: {  	[tilespmem:$0x9200] =	vst v1  }
0x4b: {  	[tilespmem:$0x9210] =	vst v1  }
0x4c: {  	[tilespmem:$0x9220] =	vst v1  }
0x4d: {  	[tilespmem:$0x9230] =	vst v1  }
0x4e: {  	[tilespmem:$0x9240] =	vst v1  }
0x4f: {  	[tilespmem:$0x9250] =	vst v1  }
0x50: {  	[tilespmem:$0x9260] =	vst v1  }
0x51: {  	[tilespmem:$0x9270] =	vst v1  }
0x52: {  	[tilespmem:$0x9280] =	vst v1  }
0x53: {  	[tilespmem:$0x9290] =	vst v1  }
0x54: {  	[tilespmem:$0x92A0] =	vst v1  }
0x55: {  	[tilespmem:$0x92B0] =	vst v1  }
0x56: {  	[tilespmem:$0x92C0] =	vst v1  }
0x57: {  	[tilespmem:$0x92D0] =	vst v1  }
0x58: {  	[tilespmem:$0x92E0] =	vst v1  }
0x59: {  	s23 =	simm.s32 $0x100;
	s3 =	simm.s32 $0x0;
	[tilespmem:$0x92F0] =	vst v1  }
.LBB2_2:
0x5a: {  	p1 =	sne.s32 s23, $0x7F00;
	[tilespmem:s3+$0x5030] =	vst v1;
	s25 =	smov.u32 s23;
	s23 =	sadd.s32 $0x100, s23  }
.Ltmp0:
0x5b: {  	[tilespmem:s3+$0x5020] =	vst v1;
	(pc) =	sbr.rel @p1 .LBB2_2-.Ltmp0, $3  }
0x5c: {  	[tilespmem:s3+$0x5000] =	vst v1  }
0x5d: {  	[tilespmem:s3+$0x5010] =	vst v1;
	_ =	sdelay $0x1  }
0x5e: {  	s3 =	sshra.s32 s25, $0x2  }
0x5f: {  	[tilespmem:s3+$0x5030] =	vst v1  }
0x60: {  	[tilespmem:s3+$0x5020] =	vst v1  }
0x61: {  	[tilespmem:s3+$0x5000] =	vst v1  }
0x62: {  	[tilespmem:s3+$0x5010] =	vst v1;
	s26 =	simm.s32 $0x9080  }
0x63: {  	[spmem:s0] =	stream.linear.scatter [tilespmem:s26], [sflag:$0x2], $0x280, $0x38;
	[tilespmem:$0x1D810] =	vst v63  }
0x64: {  	_ = 	snop  }
0x65: {  	[spmem:s21] =	stream.linear.scatter [tilespmem:s9], [sflag:$0x2], $0x2000, $0x38;
	[tilespmem:$0x1D810] =	vst v63  }
0x66: {  	_ = 	snop  }
0x67: {  	[spmem:s4] =	stream.linear.scatter [tilespmem:s9], [sflag:$0x2], $0x2000, $0x38;
	[tilespmem:$0x1D810] =	vst v63  }
0x68: {  	_ = 	snop  }
0x69: {  	[spmem:s5] =	stream.linear.scatter [tilespmem:s9], [sflag:$0x2], $0x2000, $0x38;
	[tilespmem:$0x1D810] =	vst v63  }
0x6a: {  	_ = 	snop  }
0x6b: {  	[spmem:s6] =	stream.linear.scatter [tilespmem:s9], [sflag:$0x2], $0x2000, $0x38;
	[tilespmem:$0x1D810] =	vst v63  }
0x6c: {  	_ = 	snop  }
0x6d: {  	[spmem:s7] =	stream.linear.scatter [tilespmem:s9], [sflag:$0x2], $0x2000, $0x38;
	[tilespmem:$0x1D810] =	vst v63  }
0x6e: {  	_ =	swait.ge [sflag:s10], $0x2800  }
0x6f: {  	[sflag:s10] =	ssyncset.done $0x0  }
0x70: {  	[sflag:s10] =	ssyncadd.s32 $0xFFFFD800  }
0x71: {  	_ =	swait.ge [sflag:s12], $0x280  }
0x72: {  	[sflag:s12] =	ssyncset.done $0x0  }
0x73: {  	[sflag:s12] =	ssyncadd.s32 $0xFFFFFD80  }
0x74: {  	_ =	swait.ge [sflag:s12], $0x2000  }
0x75: {  	[sflag:s12] =	ssyncset.done $0x0  }
0x76: {  	[sflag:s12] =	ssyncadd.s32 $0xFFFFE000  }
0x77: {  	_ =	swait.ge [sflag:s12], $0x2000  }
0x78: {  	[sflag:s12] =	ssyncset.done $0x0  }
0x79: {  	[sflag:s12] =	ssyncadd.s32 $0xFFFFE000  }
0x7a: {  	_ =	swait.ge [sflag:s12], $0x2000  }
0x7b: {  	[sflag:s12] =	ssyncset.done $0x0  }
0x7c: {  	[sflag:s12] =	ssyncadd.s32 $0xFFFFE000  }
0x7d: {  	_ =	swait.ge [sflag:s12], $0x2000  }
0x7e: {  	[sflag:s12] =	ssyncset.done $0x0  }
0x7f: {  	[sflag:s12] =	ssyncadd.s32 $0xFFFFE000  }
0x80: {  	_ =	swait.ge [sflag:s12], $0x2000  }
0x81: {  	[sflag:s12] =	ssyncset.done $0x0  }
0x82: {  	[sflag:s12] =	ssyncadd.s32 $0xFFFFE000  }
0x83: {  	s3 =	simm.s32 $0x0;
	[bflag:$0x0] =	sbarrier.arrive $0xFFFF  }
0x84: {  	[tilespmem:s13], [sflag:$0x4] =	stream.linear.gather [hbm4b:s28+s3], $0x2800, $0x38;
	[tilespmem:$0x1D810] =	vst v63  }
0x85: {  	_ =	swait.ge [sflag:s14], $0x2800  }
0x86: {  	[sflag:s14] =	ssyncset.done $0x0  }
0x87: {  	[sflag:s14] =	ssyncadd.s32 $0xFFFFD800  }
.LBB2_4:
0x88: {  	p1 =	sne.s32 s3, $0x9E00  }
.Ltmp1:
0x89: {  	_ = 	snop;
	(pc) =	sbr.rel @p1 .LBB2_4-.Ltmp1, $4  }
0x8a: {  	_ = 	snop  }
0x8b: {  	s23 =	sshra.s32 s3, $0x2  }
0x8c: {  	s3 =	sadd.s32 $0x200, s3;
	s23 =	sadd.s32 $0x2800, s23  }
0x8d: {  	[spmem:s1] =	stream.indirect.scatter.add.f32 [tilespmem:s19], [sflag:$0x3], $0x1, s23, s18, $0xb8;
	[tilespmem:$0x1D810] =	vst v63  }
0x8e: {  	_ =	swait.ge [sflag:s20], $0x80  }
0x8f: {  	s3 =	simm.s32 $0x4F;
	[sflag:s20] =	ssyncset.done $0x0  }
.LBB2_6:
0x90: {  	p1 =	sne.s32 s3, $0x1;
	s3 =	sadd.s32 $0xFFFFFFFF, s3;
	[sflag:s20] =	ssyncadd.s32 $0xFFFFFF80  }
.Ltmp2:
0x91: {  	(pc) =	sbr.rel @p1 .LBB2_6-.Ltmp2, $3  }
0x92: {  	_ =	sdelay $0x1  }
0x93: {  	_ =	swait.ge [sflag:s20], $0x80  }
0x94: {  	[sflag:s20] =	ssyncset.done $0x0  }
0x95: {  	[sflag:s20] =	ssyncadd.s32 $0xFFFFFF80;
	s3 =	simm.s32 $0x0  }
0x96: {  	[tilespmem:s13], [sflag:$0x4] =	stream.linear.gather [hbm4b:s8+s3], $0x2800, $0x38;
	[tilespmem:$0x1D810] =	vst v63  }
0x97: {  	_ =	swait.ge [sflag:s14], $0x2800  }
0x98: {  	[sflag:s14] =	ssyncset.done $0x0  }
0x99: {  	[sflag:s14] =	ssyncadd.s32 $0xFFFFD800  }
.LBB2_8:
0x9a: {  	p1 =	sne.s32 s3, $0x9E00  }
.Ltmp3:
0x9b: {  	_ = 	snop;
	(pc) =	sbr.rel @p1 .LBB2_8-.Ltmp3, $4  }
0x9c: {  	_ = 	snop  }
0x9d: {  	s23 =	sshra.s32 s3, $0x2  }
0x9e: {  	s3 =	sadd.s32 $0x200, s3;
	s23 =	sadd.s32 $0x2800, s23  }
0x9f: {  	[spmem:s1] =	stream.indirect.scatter.add.f32 [tilespmem:s19], [sflag:$0x3], $0x1, s23, s18, $0xb8;
	[tilespmem:$0x1D810] =	vst v63  }
0xa0: {  	_ =	swait.ge [sflag:s20], $0x80  }
0xa1: {  	s3 =	simm.s32 $0x4F;
	[sflag:s20] =	ssyncset.done $0x0  }
.LBB2_10:
0xa2: {  	p1 =	sne.s32 s3, $0x1;
	s3 =	sadd.s32 $0xFFFFFFFF, s3;
	[sflag:s20] =	ssyncadd.s32 $0xFFFFFF80  }
.Ltmp4:
0xa3: {  	(pc) =	sbr.rel @p1 .LBB2_10-.Ltmp4, $3  }
0xa4: {  	_ =	sdelay $0x1  }
0xa5: {  	_ =	swait.ge [sflag:s20], $0x80  }
0xa6: {  	[sflag:s20] =	ssyncset.done $0x0  }
0xa7: {  	[sflag:s20] =	ssyncadd.s32 $0xFFFFFF80  }
0xa8: {  	s3 =	simm.s32 $0x9300;
	[bflag:$0x0] =	sbarrier.arrive $0xFFFF  }
0xa9: {  	[tilespmem:s3], [sflag:$0x4] =	stream.linear.gather [spmem:s0], $0x280, $0x38;
	[tilespmem:$0x1D810] =	vst v63  }
0xaa: {  	_ =	swait.ge [sflag:s14], $0x280  }
0xab: {  	[sflag:s14] =	ssyncset.done $0x0  }
0xac: {  	s26 =	simm.s32 $0x0;
	[sflag:s14] =	ssyncadd.s32 $0xFFFFFD80  }
0xad: {  	v2 =	vld [tilespmem:s26+$0x9300];
	_ =	sdelay $0x4  }
0xae: {  	v2 =	vadd.f32 $1.000000000e+00, v2;
	_ =	sdelay $0x1  }
0xaf: {  	v3 =	vshra.s32 v2, $0x1;
	v2 =	vmul.f32 $5.000000000e-01, v2  }
0xb0: {  	v3 =	vsub.s32 $0x5F3759DF, v3  }
0xb1: {  	v4 =	vmul.f32 v3, v2;
	_ =	sdelay $0x1  }
0xb2: {  	v4 =	vmul.f32 v3, v4;
	_ =	sdelay $0x1  }
0xb3: {  	v4 =	vsub.f32 $1.500000000e+00, v4;
	_ =	sdelay $0x1  }
0xb4: {  	v3 =	vmul.f32 v3, v4;
	_ =	sdelay $0x1  }
0xb5: {  	v4 =	vmul.f32 v3, v2;
	_ =	sdelay $0x1  }
0xb6: {  	v4 =	vmul.f32 v4, v3;
	_ =	sdelay $0x1  }
0xb7: {  	v4 =	vsub.f32 $1.500000000e+00, v4;
	_ =	sdelay $0x1  }
0xb8: {  	v3 =	vmul.f32 v4, v3;
	_ =	sdelay $0x1  }
0xb9: {  	v2 =	vmul.f32 v3, v2;
	_ =	sdelay $0x1  }
0xba: {  	v2 =	vmul.f32 v2, v3;
	_ =	sdelay $0x1  }
0xbb: {  	v2 =	vsub.f32 $1.500000000e+00, v2;
	_ =	sdelay $0x1  }
0xbc: {  	v2 =	vmul.f32 v2, v3  }
0xbd: {  	p1 =	slt.u32 s24, $0x2710  }
0xbe: {  	v2 =	vpsel !p1, $0x0, v2  }
0xbf: {  	s23 =	simm.s32 $0x10;
	s25 =	simm.s32 $0x80;
	s3 =	smov.u32 s24;
	[tilespmem:s26+$0x9300] =	vst v2  }
.LBB2_12:
0xc0: {  	p1 =	sne.s32 s25, $0x9C0;
	v2 =	vld [tilespmem:s23+$0x9300];
	_ =	sdelay $0x4  }
0xc1: {  	v2 =	vadd.f32 $1.000000000e+00, v2;
	_ =	sdelay $0x1  }
0xc2: {  	v3 =	vshra.s32 v2, $0x1;
	v2 =	vmul.f32 $5.000000000e-01, v2  }
0xc3: {  	v3 =	vsub.s32 $0x5F3759DF, v3  }
0xc4: {  	v4 =	vmul.f32 v3, v2;
	_ =	sdelay $0x1  }
0xc5: {  	v4 =	vmul.f32 v3, v4;
	_ =	sdelay $0x1  }
0xc6: {  	v4 =	vsub.f32 $1.500000000e+00, v4;
	_ =	sdelay $0x1  }
0xc7: {  	v3 =	vmul.f32 v3, v4;
	_ =	sdelay $0x1  }
0xc8: {  	v4 =	vmul.f32 v3, v2;
	_ =	sdelay $0x1  }
0xc9: {  	v4 =	vmul.f32 v4, v3;
	_ =	sdelay $0x1  }
0xca: {  	v4 =	vsub.f32 $1.500000000e+00, v4;
	_ =	sdelay $0x1  }
0xcb: {  	v3 =	vmul.f32 v4, v3;
	_ =	sdelay $0x1  }
0xcc: {  	v2 =	vmul.f32 v3, v2;
	_ =	sdelay $0x1  }
0xcd: {  	v2 =	vmul.f32 v2, v3;
	_ =	sdelay $0x1  }
0xce: {  	v2 =	vsub.f32 $1.500000000e+00, v2  }
.Ltmp5:
0xcf: {  	(pc) =	sbr.rel @p1 .LBB2_12-.Ltmp5, $4  }
0xd0: {  	s3 =	sadd.s32 $0x10, s3;
	v2 =	vmul.f32 v2, v3  }
0xd1: {  	p2 =	slt.u32 s3, $0x2710  }
0xd2: {  	v2 =	vpsel !p2, $0x0, v2  }
0xd3: {  	[tilespmem:s23+$0x9300] =	vst v2;
	s23 =	sshra.s32 s25, $0x2;
	s25 =	sadd.s32 $0x40, s25  }
0xd4: {  	v2 =	vld [tilespmem:s23+$0x9300];
	_ =	sdelay $0x4  }
0xd5: {  	v2 =	vadd.f32 $1.000000000e+00, v2;
	_ =	sdelay $0x1  }
0xd6: {  	v3 =	vshra.s32 v2, $0x1;
	v2 =	vmul.f32 $5.000000000e-01, v2  }
0xd7: {  	v3 =	vsub.s32 $0x5F3759DF, v3  }
0xd8: {  	v4 =	vmul.f32 v3, v2;
	_ =	sdelay $0x1  }
0xd9: {  	v4 =	vmul.f32 v3, v4;
	_ =	sdelay $0x1  }
0xda: {  	v4 =	vsub.f32 $1.500000000e+00, v4;
	_ =	sdelay $0x1  }
0xdb: {  	v3 =	vmul.f32 v3, v4;
	_ =	sdelay $0x1  }
0xdc: {  	v4 =	vmul.f32 v3, v2;
	_ =	sdelay $0x1  }
0xdd: {  	v4 =	vmul.f32 v4, v3;
	_ =	sdelay $0x1  }
0xde: {  	v4 =	vsub.f32 $1.500000000e+00, v4;
	_ =	sdelay $0x1  }
0xdf: {  	v3 =	vmul.f32 v4, v3;
	_ =	sdelay $0x1  }
0xe0: {  	v2 =	vmul.f32 v3, v2;
	_ =	sdelay $0x1  }
0xe1: {  	v2 =	vmul.f32 v2, v3;
	_ =	sdelay $0x1  }
0xe2: {  	v2 =	vsub.f32 $1.500000000e+00, v2;
	_ =	sdelay $0x1  }
0xe3: {  	s3 =	sadd.s32 $0x10, s3;
	v2 =	vmul.f32 v2, v3  }
0xe4: {  	p1 =	slt.u32 s3, $0x2710  }
0xe5: {  	v2 =	vpsel !p1, $0x0, v2  }
0xe6: {  	s25 =	rddreg [dreg:$0x6];
	s3 =	simm.s32 @!p0 $0x0;
	[tilespmem:s23+$0x9300] =	vst v2;
	s23 =	simm.s32 @!p0 $0x9300  }
0xe7: {  	[hbm4b:s25+s3] =	stream.linear.scatter @!p0 [tilespmem:s23], [sflag:$0x4], $0x280, $0x38;
	[tilespmem:$0x1D810] =	vst v63  }
0xe8: {  	s3 =	simm.s32 @!p0 $0x4  }
0xe9: {  	_ =	swait.ge @!p0 [sflag:s3], $0x280  }
0xea: {  	[sflag:s3] =	ssyncset.done @!p0 $0x0  }
0xeb: {  	s25 =	rddreg [dreg:$0x7];
	[sflag:s3] =	ssyncadd.s32 @!p0 $0xFFFFFD80;
	s3 =	simm.s32 $0x0  }
0xec: {  	[tilespmem:s13], [sflag:$0x2] =	stream.linear.gather [hbm4b:s25+s3], $0x2800, $0x38;
	[tilespmem:$0x1D810] =	vst v63  }
0xed: {  	s26 =	rddreg [dreg:$0x8]  }
0xee: {  	[tilespmem:s9], [sflag:$0x1] =	stream.linear.gather [hbm4b:s26+s3], $0x2000, $0x38;
	[tilespmem:$0x1D810] =	vst v63  }
0xef: {  	_ =	swait.ge [sflag:s10], $0x2000  }
0xf0: {  	[sflag:s10] =	ssyncset.done $0x0  }
0xf1: {  	s25 =	rddreg [dreg:$0x9];
	[sflag:s10] =	ssyncadd.s32 $0xFFFFE000  }
0xf2: {  	[tilespmem:s11], [sflag:$0x1] =	stream.linear.gather [hbm4b:s25+s3], $0x2000, $0x38;
	[tilespmem:$0x1D810] =	vst v63  }
0xf3: {  	s3 =	simm.s32 $0x5020  }
0xf4: {  	v2 =	vld [tilespmem:s3+$0xFFFFFFF0]  }
0xf5: {  	s26 =	simm.s32 $0x0;
	v4 =	vld [tilespmem:s3+$0x10]  }
0xf6: {  	v6 =	vld.msk [tilespmem:s26+$0x9300 ss:$0x0], $0xffff  }
0xf7: {  	v3 =	vld [tilespmem:s3+$0xFFFFFFE0]  }
0xf8: {  	v7 =	vld [tilespmem:s3+$0x0];
	_ =	sdelay $0x3  }
0xf9: {  	v3 =	vmul.f32 v3, v6;
	v5 =	vmul.f32 v4, v6  }
0xfa: {  	s23 =	simm.s32 $0x4;
	s25 =	simm.s32 $0x5020;
	v4 =	vmul.f32 v2, v6;
	v2 =	vmul.f32 v7, v6  }
.LBB2_14:
0xfb: {  	p1 =	sne.s32 s23, $0x1FC  }
0xfc: {  	[tilespmem:s3+$0x10] =	vst v5;
	s25 =	sadd.s32 $0x40, s25;
	s26 =	smov.u32 s23;
	s23 =	sadd.s32 $0x4, s23  }
0xfd: {  	[tilespmem:s3+$0xFFFFFFE0] =	vst v3  }
0xfe: {  	v6 =	vld [tilespmem:s25+$0xFFFFFFF0];
	[tilespmem:s3+$0xFFFFFFF0] =	vst v4  }
0xff: {  	s26 =	sshra.s32 s26, $0x2;
	v4 =	vld [tilespmem:s25+$0x10];
	[tilespmem:s3+$0x0] =	vst v2;
	s3 =	smov.u32 s25  }
0x100: {  	v2 =	vld.msk [tilespmem:s26+$0x9300 ss:$0x0], $0xffff  }
0x101: {  	v3 =	vld [tilespmem:s25+$0xFFFFFFE0]  }
0x102: {  	v7 =	vld [tilespmem:s25+$0x0]  }
.Ltmp6:
0x103: {  	(pc) =	sbr.rel @p1 .LBB2_14-.Ltmp6, $3  }
0x104: {  	_ =	sdelay $0x1  }
0x105: {  	v5 =	vmul.f32 v4, v2;
	v3 =	vmul.f32 v3, v2  }
0x106: {  	v4 =	vmul.f32 v6, v2;
	v2 =	vmul.f32 v7, v2  }
0x107: {  	[tilespmem:s3+$0x10] =	vst v5  }
0x108: {  	[tilespmem:s3+$0xFFFFFFE0] =	vst v3  }
0x109: {  	[tilespmem:s3+$0xFFFFFFF0] =	vst v4  }
0x10a: {  	s25 =	rddreg [dreg:$0x14];
	[tilespmem:s3+$0x0] =	vst v2  }
0x10b: {  	[spmem:s25] =	stream.linear.scatter [tilespmem:s9], [sflag:$0x3], $0x2000, $0x38;
	[tilespmem:$0x1D810] =	vst v63  }
0x10c: {  	_ =	swait.ge [sflag:s10], $0x2000  }
0x10d: {  	[sflag:s10] =	ssyncset.done $0x0  }
0x10e: {  	[sflag:s10] =	ssyncadd.s32 $0xFFFFE000  }
0x10f: {  	_ =	swait.ge [sflag:s20], $0x2000  }
0x110: {  	s23 =	simm.s32 $0x0;
	[sflag:s20] =	ssyncset.done $0x0  }
0x111: {  	s3 =	simm.s32 $0x7020;
	s26 =	rddreg [dreg:$0xa];
	[sflag:s20] =	ssyncadd.s32 $0xFFFFE000  }
0x112: {  	[tilespmem:s9], [sflag:$0x1] =	stream.linear.gather [hbm4b:s26+s23], $0x2000, $0x38;
	[tilespmem:$0x1D810] =	vst v63  }
0x113: {  	v2 =	vld [tilespmem:s3+$0xFFFFFFF0]  }
0x114: {  	s23 =	sand.u32 $0x7F, s23;
	v4 =	vld [tilespmem:s3+$0x10]  }
0x115: {  	s23 =	sor.u32 $0x9380, s23;
	v3 =	vld [tilespmem:s3+$0xFFFFFFE0]  }
0x116: {  	v6 =	vld.msk [tilespmem:s23+$0x0 ss:$0x0], $0xffff  }
0x117: {  	v7 =	vld [tilespmem:s3+$0x0];
	_ =	sdelay $0x3  }
0x118: {  	v3 =	vmul.f32 v3, v6;
	v5 =	vmul.f32 v4, v6  }
0x119: {  	s25 =	simm.s32 $0x7020;
	s23 =	simm.s32 $0x1;
	v4 =	vmul.f32 v2, v6;
	v2 =	vmul.f32 v7, v6  }
.LBB2_16:
0x11a: {  	p1 =	sne.s32 s23, $0x7F  }
0x11b: {  	[tilespmem:s3+$0x10] =	vst v5;
	s25 =	sadd.s32 $0x40, s25;
	s26 =	smov.u32 s23;
	s23 =	sadd.s32 $0x1, s23  }
0x11c: {  	[tilespmem:s3+$0xFFFFFFE0] =	vst v3  }
0x11d: {  	s26 =	sand.u32 $0x7F, s26;
	v6 =	vld [tilespmem:s25+$0xFFFFFFF0];
	[tilespmem:s3+$0xFFFFFFF0] =	vst v4  }
0x11e: {  	s26 =	sor.u32 $0x9380, s26;
	v4 =	vld [tilespmem:s25+$0x10];
	[tilespmem:s3+$0x0] =	vst v2;
	s3 =	smov.u32 s25  }
0x11f: {  	v2 =	vld.msk [tilespmem:s26+$0x0 ss:$0x0], $0xffff  }
0x120: {  	v3 =	vld [tilespmem:s25+$0xFFFFFFE0]  }
0x121: {  	v7 =	vld [tilespmem:s25+$0x0]  }
.Ltmp7:
0x122: {  	(pc) =	sbr.rel @p1 .LBB2_16-.Ltmp7, $3  }
0x123: {  	_ =	sdelay $0x1  }
0x124: {  	v5 =	vmul.f32 v4, v2;
	v3 =	vmul.f32 v3, v2  }
0x125: {  	v4 =	vmul.f32 v6, v2;
	v2 =	vmul.f32 v7, v2  }
0x126: {  	[tilespmem:s3+$0x10] =	vst v5  }
0x127: {  	[tilespmem:s3+$0xFFFFFFE0] =	vst v3  }
0x128: {  	[tilespmem:s3+$0xFFFFFFF0] =	vst v4  }
0x129: {  	s25 =	rddreg [dreg:$0x15];
	[tilespmem:s3+$0x0] =	vst v2  }
0x12a: {  	[spmem:s25] =	stream.linear.scatter [tilespmem:s11], [sflag:$0x3], $0x2000, $0x38;
	[tilespmem:$0x1D810] =	vst v63  }
0x12b: {  	_ =	swait.ge [sflag:s10], $0x2000  }
0x12c: {  	[sflag:s10] =	ssyncset.done $0x0  }
0x12d: {  	[sflag:s10] =	ssyncadd.s32 $0xFFFFE000  }
0x12e: {  	_ =	swait.ge [sflag:s20], $0x2000  }
0x12f: {  	s23 =	simm.s32 $0x0;
	[sflag:s20] =	ssyncset.done $0x0  }
0x130: {  	s3 =	simm.s32 $0x5020;
	s26 =	rddreg [dreg:$0xb];
	[sflag:s20] =	ssyncadd.s32 $0xFFFFE000  }
0x131: {  	[tilespmem:s11], [sflag:$0x1] =	stream.linear.gather [hbm4b:s26+s23], $0x2000, $0x38;
	[tilespmem:$0x1D810] =	vst v63  }
0x132: {  	v2 =	vld [tilespmem:s3+$0xFFFFFFF0]  }
0x133: {  	s23 =	sand.u32 $0x7F, s23;
	v4 =	vld [tilespmem:s3+$0x10]  }
0x134: {  	s23 =	sor.u32 $0x9400, s23;
	v3 =	vld [tilespmem:s3+$0xFFFFFFE0]  }
0x135: {  	v6 =	vld.msk [tilespmem:s23+$0x0 ss:$0x0], $0xffff  }
0x136: {  	v7 =	vld [tilespmem:s3+$0x0];
	_ =	sdelay $0x3  }
0x137: {  	v3 =	vmul.f32 v3, v6;
	v5 =	vmul.f32 v4, v6  }
0x138: {  	s25 =	simm.s32 $0x5020;
	s23 =	simm.s32 $0x1;
	v4 =	vmul.f32 v2, v6;
	v2 =	vmul.f32 v7, v6  }
.LBB2_18:
0x139: {  	p1 =	sne.s32 s23, $0x7F  }
0x13a: {  	[tilespmem:s3+$0x10] =	vst v5;
	s25 =	sadd.s32 $0x40, s25;
	s26 =	smov.u32 s23;
	s23 =	sadd.s32 $0x1, s23  }
0x13b: {  	[tilespmem:s3+$0xFFFFFFE0] =	vst v3  }
0x13c: {  	s26 =	sand.u32 $0x7F, s26;
	v6 =	vld [tilespmem:s25+$0xFFFFFFF0];
	[tilespmem:s3+$0xFFFFFFF0] =	vst v4  }
0x13d: {  	s26 =	sor.u32 $0x9400, s26;
	v4 =	vld [tilespmem:s25+$0x10];
	[tilespmem:s3+$0x0] =	vst v2;
	s3 =	smov.u32 s25  }
0x13e: {  	v2 =	vld.msk [tilespmem:s26+$0x0 ss:$0x0], $0xffff  }
0x13f: {  	v3 =	vld [tilespmem:s25+$0xFFFFFFE0]  }
0x140: {  	v7 =	vld [tilespmem:s25+$0x0]  }
.Ltmp8:
0x141: {  	(pc) =	sbr.rel @p1 .LBB2_18-.Ltmp8, $3  }
0x142: {  	_ =	sdelay $0x1  }
0x143: {  	v5 =	vmul.f32 v4, v2;
	v3 =	vmul.f32 v3, v2  }
0x144: {  	v4 =	vmul.f32 v6, v2;
	v2 =	vmul.f32 v7, v2  }
0x145: {  	[tilespmem:s3+$0x10] =	vst v5  }
0x146: {  	[tilespmem:s3+$0xFFFFFFE0] =	vst v3  }
0x147: {  	[tilespmem:s3+$0xFFFFFFF0] =	vst v4  }
0x148: {  	s25 =	rddreg [dreg:$0x16];
	[tilespmem:s3+$0x0] =	vst v2  }
0x149: {  	[spmem:s25] =	stream.linear.scatter [tilespmem:s9], [sflag:$0x3], $0x2000, $0x38;
	[tilespmem:$0x1D810] =	vst v63  }
0x14a: {  	_ =	swait.ge [sflag:s10], $0x2000  }
0x14b: {  	[sflag:s10] =	ssyncset.done $0x0  }
0x14c: {  	[sflag:s10] =	ssyncadd.s32 $0xFFFFE000  }
0x14d: {  	_ =	swait.ge [sflag:s20], $0x2000  }
0x14e: {  	s23 =	simm.s32 $0x0;
	[sflag:s20] =	ssyncset.done $0x0  }
0x14f: {  	s3 =	simm.s32 $0x7020;
	s26 =	rddreg [dreg:$0xc];
	[sflag:s20] =	ssyncadd.s32 $0xFFFFE000  }
0x150: {  	[tilespmem:s9], [sflag:$0x1] =	stream.linear.gather [hbm4b:s26+s23], $0x2000, $0x38;
	[tilespmem:$0x1D810] =	vst v63  }
0x151: {  	v2 =	vld [tilespmem:s3+$0xFFFFFFF0]  }
0x152: {  	s23 =	sand.u32 $0x7F, s23;
	v4 =	vld [tilespmem:s3+$0x10]  }
0x153: {  	s23 =	sor.u32 $0x9480, s23;
	v3 =	vld [tilespmem:s3+$0xFFFFFFE0]  }
0x154: {  	v6 =	vld.msk [tilespmem:s23+$0x0 ss:$0x0], $0xffff  }
0x155: {  	v7 =	vld [tilespmem:s3+$0x0];
	_ =	sdelay $0x3  }
0x156: {  	v3 =	vmul.f32 v3, v6;
	v5 =	vmul.f32 v4, v6  }
0x157: {  	s25 =	simm.s32 $0x7020;
	s23 =	simm.s32 $0x1;
	v4 =	vmul.f32 v2, v6;
	v2 =	vmul.f32 v7, v6  }
.LBB2_20:
0x158: {  	p1 =	sne.s32 s23, $0x7F  }
0x159: {  	[tilespmem:s3+$0x10] =	vst v5;
	s25 =	sadd.s32 $0x40, s25;
	s26 =	smov.u32 s23;
	s23 =	sadd.s32 $0x1, s23  }
0x15a: {  	[tilespmem:s3+$0xFFFFFFE0] =	vst v3  }
0x15b: {  	s26 =	sand.u32 $0x7F, s26;
	v6 =	vld [tilespmem:s25+$0xFFFFFFF0];
	[tilespmem:s3+$0xFFFFFFF0] =	vst v4  }
0x15c: {  	s26 =	sor.u32 $0x9480, s26;
	v4 =	vld [tilespmem:s25+$0x10];
	[tilespmem:s3+$0x0] =	vst v2;
	s3 =	smov.u32 s25  }
0x15d: {  	v2 =	vld.msk [tilespmem:s26+$0x0 ss:$0x0], $0xffff  }
0x15e: {  	v3 =	vld [tilespmem:s25+$0xFFFFFFE0]  }
0x15f: {  	v7 =	vld [tilespmem:s25+$0x0]  }
.Ltmp9:
0x160: {  	(pc) =	sbr.rel @p1 .LBB2_20-.Ltmp9, $3  }
0x161: {  	_ =	sdelay $0x1  }
0x162: {  	v5 =	vmul.f32 v4, v2;
	v3 =	vmul.f32 v3, v2  }
0x163: {  	v4 =	vmul.f32 v6, v2;
	v2 =	vmul.f32 v7, v2  }
0x164: {  	[tilespmem:s3+$0x10] =	vst v5  }
0x165: {  	[tilespmem:s3+$0xFFFFFFE0] =	vst v3  }
0x166: {  	[tilespmem:s3+$0xFFFFFFF0] =	vst v4  }
0x167: {  	s26 =	rddreg [dreg:$0x17];
	[tilespmem:s3+$0x0] =	vst v2  }
0x168: {  	[spmem:s26] =	stream.linear.scatter [tilespmem:s11], [sflag:$0x3], $0x2000, $0x38;
	[tilespmem:$0x1D810] =	vst v63  }
0x169: {  	_ =	swait.ge [sflag:s10], $0x2000  }
0x16a: {  	[sflag:s10] =	ssyncset.done $0x0  }
0x16b: {  	s23 =	simm.s32 $0x0;
	s3 =	simm.s32 $0x5020;
	[sflag:s10] =	ssyncadd.s32 $0xFFFFE000  }
0x16c: {  	s23 =	sand.u32 $0x7F, s23;
	v2 =	vld [tilespmem:s3+$0xFFFFFFF0]  }
0x16d: {  	s23 =	sor.u32 $0x9500, s23;
	v4 =	vld [tilespmem:s3+$0x10]  }
0x16e: {  	v6 =	vld.msk [tilespmem:s23+$0x0 ss:$0x0], $0xffff  }
0x16f: {  	v3 =	vld [tilespmem:s3+$0xFFFFFFE0]  }
0x170: {  	v7 =	vld [tilespmem:s3+$0x0];
	_ =	sdelay $0x3  }
0x171: {  	v3 =	vmul.f32 v3, v6;
	v5 =	vmul.f32 v4, v6  }
0x172: {  	s25 =	simm.s32 $0x5020;
	s23 =	simm.s32 $0x1;
	v4 =	vmul.f32 v2, v6;
	v2 =	vmul.f32 v7, v6  }
.LBB2_22:
0x173: {  	p1 =	sne.s32 s23, $0x7F  }
0x174: {  	[tilespmem:s3+$0x10] =	vst v5;
	s25 =	sadd.s32 $0x40, s25;
	s26 =	smov.u32 s23;
	s23 =	sadd.s32 $0x1, s23  }
0x175: {  	[tilespmem:s3+$0xFFFFFFE0] =	vst v3  }
0x176: {  	s26 =	sand.u32 $0x7F, s26;
	v6 =	vld [tilespmem:s25+$0xFFFFFFF0];
	[tilespmem:s3+$0xFFFFFFF0] =	vst v4  }
0x177: {  	s26 =	sor.u32 $0x9500, s26;
	v4 =	vld [tilespmem:s25+$0x10];
	[tilespmem:s3+$0x0] =	vst v2;
	s3 =	smov.u32 s25  }
0x178: {  	v2 =	vld.msk [tilespmem:s26+$0x0 ss:$0x0], $0xffff  }
0x179: {  	v3 =	vld [tilespmem:s25+$0xFFFFFFE0]  }
0x17a: {  	v7 =	vld [tilespmem:s25+$0x0]  }
.Ltmp10:
0x17b: {  	(pc) =	sbr.rel @p1 .LBB2_22-.Ltmp10, $3  }
0x17c: {  	_ =	sdelay $0x1  }
0x17d: {  	v5 =	vmul.f32 v4, v2;
	v3 =	vmul.f32 v3, v2  }
0x17e: {  	v4 =	vmul.f32 v6, v2;
	v2 =	vmul.f32 v7, v2  }
0x17f: {  	[tilespmem:s3+$0x10] =	vst v5  }
0x180: {  	[tilespmem:s3+$0xFFFFFFE0] =	vst v3  }
0x181: {  	[tilespmem:s3+$0xFFFFFFF0] =	vst v4  }
0x182: {  	s23 =	rddreg [dreg:$0x18];
	[tilespmem:s3+$0x0] =	vst v2  }
0x183: {  	[spmem:s23] =	stream.linear.scatter [tilespmem:s9], [sflag:$0x3], $0x2000, $0x38;
	[tilespmem:$0x1D810] =	vst v63  }
0x184: {  	_ =	swait.ge [sflag:s20], $0x2000  }
0x185: {  	[sflag:s20] =	ssyncset.done $0x0  }
0x186: {  	[sflag:s20] =	ssyncadd.s32 $0xFFFFE000  }
0x187: {  	_ =	swait.ge [sflag:s20], $0x2000  }
0x188: {  	[sflag:s20] =	ssyncset.done $0x0  }
0x189: {  	[sflag:s20] =	ssyncadd.s32 $0xFFFFE000  }
0x18a: {  	_ =	swait.ge [sflag:s12], $0x2800  }
0x18b: {  	[sflag:s12] =	ssyncset.done $0x0  }
0x18c: {  	[sflag:s12] =	ssyncadd.s32 $0xFFFFD800  }
0x18d: {  	s25 =	simm.s32 $0x0;
	[bflag:$0x0] =	sbarrier.arrive $0xFFFF  }
0x18e: {  	[tilespmem:s9], [sflag:$0x1] =	stream.indirect.gather [spmem:s17], $0x40, s25, s18, $0xb8;
	[tilespmem:$0x1D810] =	vst v63  }
0x18f: {  	_ =	swait.ge [sflag:s10], $0x2000  }
0x190: {  	[sflag:s10] =	ssyncset.done $0x0  }
0x191: {  	s26 =	simm.s32 $0x80;
	[sflag:s10] =	ssyncadd.s32 $0xFFFFE000  }
0x192: {  	[tilespmem:s11], [sflag:$0x2] =	stream.indirect.gather [spmem:s17], $0x40, s26, s18, $0xb8;
	[tilespmem:$0x1D810] =	vst v63  }
0x193: {  	s23 =	simm.s32 $0x2800  }
0x194: {  	[spmem:s16] =	stream.indirect.scatter.add.f32 [tilespmem:s9], [sflag:$0x4], $0x40, s23, s18, $0xb8;
	[tilespmem:$0x1D810] =	vst v63  }
0x195: {  	_ =	swait.ge [sflag:s14], $0x2000  }
0x196: {  	[sflag:s14] =	ssyncset.done $0x0  }
0x197: {  	[sflag:s14] =	ssyncadd.s32 $0xFFFFE000  }
0x198: {  	_ =	swait.ge [sflag:s12], $0x2000  }
0x199: {  	[sflag:s12] =	ssyncset.done $0x0  }
0x19a: {  	s25 =	simm.s32 $0x100;
	[sflag:s12] =	ssyncadd.s32 $0xFFFFE000  }
0x19b: {  	[tilespmem:s9], [sflag:$0x1] =	stream.indirect.gather [spmem:s17], $0x40, s25, s18, $0xb8;
	[tilespmem:$0x1D810] =	vst v63  }
0x19c: {  	s26 =	simm.s32 $0x2880  }
0x19d: {  	[spmem:s16] =	stream.indirect.scatter.add.f32 [tilespmem:s11], [sflag:$0x4], $0x40, s26, s18, $0xb8;
	[tilespmem:$0x1D810] =	vst v63  }
0x19e: {  	_ =	swait.ge [sflag:s14], $0x2000  }
0x19f: {  	s3 =	simm.s32 $0x400;
	[sflag:s14] =	ssyncset.done $0x0  }
.LBB2_24:
0x1a0: {  	p1 =	sne.s32 s3, $0x9800  }
0x1a1: {  	[sflag:s14] =	ssyncadd.s32 $0xFFFFE000;
	s23 =	smov.u32 s3;
	s3 =	sadd.s32 $0x400, s3  }
0x1a2: {  	_ = 	snop  }
0x1a3: {  	_ =	swait.ge [sflag:s10], $0x2000  }
0x1a4: {  	s23 =	sshra.s32 s23, $0x2;
	[sflag:s10] =	ssyncset.done $0x0  }
0x1a5: {  	s25 =	sadd.s32 $0x80, s23;
	[sflag:s10] =	ssyncadd.s32 $0xFFFFE000  }
0x1a6: {  	[tilespmem:s11], [sflag:$0x2] =	stream.indirect.gather [spmem:s17], $0x40, s25, s18, $0xb8;
	[tilespmem:$0x1D810] =	vst v63  }
0x1a7: {  	s25 =	sadd.s32 $0x2800, s23  }
0x1a8: {  	[spmem:s16] =	stream.indirect.scatter.add.f32 [tilespmem:s9], [sflag:$0x4], $0x40, s25, s18, $0xb8;
	[tilespmem:$0x1D810] =	vst v63  }
0x1a9: {  	_ =	swait.ge [sflag:s14], $0x2000  }
0x1aa: {  	[sflag:s14] =	ssyncset.done $0x0  }
0x1ab: {  	[sflag:s14] =	ssyncadd.s32 $0xFFFFE000  }
0x1ac: {  	_ =	swait.ge [sflag:s12], $0x2000  }
0x1ad: {  	[sflag:s12] =	ssyncset.done $0x0  }
0x1ae: {  	s25 =	sadd.s32 $0x100, s23;
	[sflag:s12] =	ssyncadd.s32 $0xFFFFE000  }
0x1af: {  	[tilespmem:s9], [sflag:$0x1] =	stream.indirect.gather [spmem:s17], $0x40, s25, s18, $0xb8;
	[tilespmem:$0x1D810] =	vst v63  }
.Ltmp11:
0x1b0: {  	_ = 	snop;
	(pc) =	sbr.rel @p1 .LBB2_24-.Ltmp11, $4  }
0x1b1: {  	s23 =	sadd.s32 $0x2880, s23  }
0x1b2: {  	[spmem:s16] =	stream.indirect.scatter.add.f32 [tilespmem:s11], [sflag:$0x4], $0x40, s23, s18, $0xb8;
	[tilespmem:$0x1D810] =	vst v63  }
0x1b3: {  	_ =	swait.ge [sflag:s14], $0x2000  }
0x1b4: {  	[sflag:s14] =	ssyncset.done $0x0  }
0x1b5: {  	[sflag:s14] =	ssyncadd.s32 $0xFFFFE000  }
0x1b6: {  	_ =	swait.ge [sflag:s10], $0x2000  }
0x1b7: {  	[sflag:s10] =	ssyncset.done $0x0  }
0x1b8: {  	s3 =	simm.s32 $0x2780;
	[sflag:s10] =	ssyncadd.s32 $0xFFFFE000  }
0x1b9: {  	[tilespmem:s11], [sflag:$0x2] =	stream.indirect.gather [spmem:s17], $0x40, s3, s18, $0xb8;
	[tilespmem:$0x1D810] =	vst v63  }
0x1ba: {  	s26 =	simm.s32 $0x4F00  }
0x1bb: {  	[spmem:s16] =	stream.indirect.scatter.add.f32 [tilespmem:s9], [sflag:$0x4], $0x40, s26, s18, $0xb8;
	[tilespmem:$0x1D810] =	vst v63  }
0x1bc: {  	_ =	swait.ge [sflag:s14], $0x2000  }
0x1bd: {  	[sflag:s14] =	ssyncset.done $0x0  }
0x1be: {  	[sflag:s14] =	ssyncadd.s32 $0xFFFFE000  }
0x1bf: {  	_ =	swait.ge [sflag:s12], $0x2000  }
0x1c0: {  	[sflag:s12] =	ssyncset.done $0x0  }
0x1c1: {  	s23 =	simm.s32 $0x4F80;
	[sflag:s12] =	ssyncadd.s32 $0xFFFFE000  }
0x1c2: {  	[spmem:s16] =	stream.indirect.scatter.add.f32 [tilespmem:s11], [sflag:$0x4], $0x40, s23, s18, $0xb8;
	[tilespmem:$0x1D810] =	vst v63  }
0x1c3: {  	_ =	swait.ge [sflag:s14], $0x2000  }
0x1c4: {  	[sflag:s14] =	ssyncset.done $0x0  }
0x1c5: {  	s25 =	stileid.u32;
	[sflag:s14] =	ssyncadd.s32 $0xFFFFE000  }
0x1c6: {  	s3 =	sshll.u32 s25, $0x6;
	[bflag:$0x0] =	sbarrier.arrive $0xFFFF  }
0x1c7: {  	s3 =	sor.u32 $0x1C01, s3;
	s23 =	rddreg [dreg:$0xd]  }
0x1c8: {  	[hbm:s23], [sflag:s3] =	dma.local [spmem:s29], $0x400  }
0x1c9: {  	s23 =	rddreg [dreg:$0xe]  }
0x1ca: {  	[hbm:s23], [sflag:s3] =	dma.local [spmem:s30], $0x400  }
0x1cb: {  	s23 =	rddreg [dreg:$0xf]  }
0x1cc: {  	[hbm:s23], [sflag:s3] =	dma.local [spmem:s31], $0x400  }
0x1cd: {  	s23 =	rddreg [dreg:$0x10]  }
0x1ce: {  	[hbm:s23], [sflag:s3] =	dma.local [spmem:s15], $0x400  }
0x1cf: {  	s23 =	rddreg [dreg:$0x11]  }
0x1d0: {  	[hbm:s23], [sflag:s3] =	dma.local [spmem:s2], $0x400  }
0x1d1: {  	_ =	swait.ge [sflag:s10], $0x400  }
0x1d2: {  	[sflag:s10] =	ssyncset.done $0x0  }
0x1d3: {  	[sflag:s10] =	ssyncadd.s32 $0xFFFFFC00  }
0x1d4: {  	_ =	swait.ge [sflag:s10], $0x400  }
0x1d5: {  	[sflag:s10] =	ssyncset.done $0x0  }
0x1d6: {  	[sflag:s10] =	ssyncadd.s32 $0xFFFFFC00  }
0x1d7: {  	_ =	swait.ge [sflag:s10], $0x400  }
0x1d8: {  	[sflag:s10] =	ssyncset.done $0x0  }
0x1d9: {  	[sflag:s10] =	ssyncadd.s32 $0xFFFFFC00  }
0x1da: {  	_ =	swait.ge [sflag:s10], $0x400  }
0x1db: {  	[sflag:s10] =	ssyncset.done $0x0  }
0x1dc: {  	[sflag:s10] =	ssyncadd.s32 $0xFFFFFC00  }
0x1dd: {  	_ =	swait.ge [sflag:s10], $0x400  }
0x1de: {  	s22 =	sadd.s32 $0x1, s22;
	s26 =	rddreg [dreg:$0x13]  }
0x1df: {  	p1 =	sne.s32 s22, s26  }
.Ltmp12:
0x1e0: {  	_ = 	snop;
	(pc) =	sbr.rel @p1 .LBB2_1-.Ltmp12, $3  }
0x1e1: {  	_ =	sdelay $0x1  }
0x1e2: {  	[sflag:s10] =	ssyncset.done $0x0  }
0x1e3: {  	[sflag:s10] =	ssyncadd.s32 $0xFFFFFC00  }
0x1e4: {  	_ =	sfence.sel $0x180000  }
0x1e5: {  	[bflag:$0x0] =	sbarrier.arrive $0xFFFF  }
0x1e6: {  	_ =	strace $0x90000047  }
0x1e7: {  	s0 =	stileid.u32;
	[bflag:$0x2] =	sbarrier.arrive $0xFFFF  }
0x1e8: {  	p0 =	sne.s32 s0, $0x0;
	s0 =	rddreg [dreg:$0x5]  }
0x1e9: {  	s0 =	sadd.s32 @!p0 $0x100000, s0  }
0x1ea: {  	[sflag:s0] =	ssyncadd.tile.s32 @!p0 $0x1;
	_ =	shalt  }
.Lfunc_end2:
_tile_overlayer_lowered:
.L_overlay_start_2:
0x1eb: {  	(tag) =	ssettag $0x2  }
0x1ec: {  	s0 =	rddreg [dreg:$0x0];
	s2 =	stileid.u32  }
0x1ed: {  	s1 =	rddreg [dreg:$0x1];
	p0 =	sne.s32 s2, $0x0  }
0x1ee: {  	s3 =	rddreg [dreg:$0x2];
	[bflag:$0x3] =	sbarrier.arrive $0xFFFF;
	s2 =	simm.s32 @!p0 $0x1C04  }
0x1ef: {  	[timem:s3], [sflag:s2] =	dma.local @!p0 [hbm:s0], s1  }
0x1f0: {  	s0 =	simm.s32 @!p0 $0x4  }
0x1f1: {  	_ =	swait.ge @!p0 [sflag:s0], s1  }
0x1f2: {  	s1 =	ssub.s32 @!p0 $0x0, s1;
	[sflag:s0] =	ssyncset.done @!p0 $0x0  }
0x1f3: {  	[sflag:s0] =	ssyncadd.s32 @!p0 s1  }
0x1f4: {  	[bflag:$0x3] =	sbarrier.arrive $0xFFFF  }
0x1f5: {  	_ =	shalt  }

// kernel: kernel.9.cloned.1.call-start
scs
__scs_entry_jumppad:
0x0: {  	(pc) =	sbr.rel $0x88, $3  }
0x1: {  	(tag) =	ssettag $0x0;
	lr =	simm.s32 $0x1  }
0x2: {  	[smem:$0x3F9B] =	sst lr;
	_ =	strace $0xD0000000  }
0x3: {  	_ = 	snop  }
0x4: {  	_ = 	snop  }
0x5: {  	_ = 	snop  }
0x6: {  	_ = 	snop  }
0x7: {  	_ = 	snop  }
__scs_overlays_trampoline_lowered:
0x8: {  	[smem:$0x3FAA] =	sst s0  }
0x9: {  	[smem:$0x3FAB] =	sst s1  }
0xa: {  	[smem:$0x3FAC] =	sst s2  }
0xb: {  	[smem:$0x3FAD] =	sst s3  }
0xc: {  	[smem:$0x3FAE] =	sst s4  }
0xd: {  	[smem:$0x3FAF] =	sst s5  }
0xe: {  	[smem:$0x3FB0] =	sst s6  }
0xf: {  	[smem:$0x3FB1] =	sst s7  }
0x10: {  	[smem:$0x3FB2] =	sst s8  }
0x11: {  	[smem:$0x3FB3] =	sst s9;
	s0 =	simm.s32 @!p0 $0x0  }
0x12: {  	s1 =	sld [smem:$0x3F99];
	s0 =	simm.s32 @p0 $0x1  }
0x13: {  	[smem:$0x3FB4] =	sst s0;
	s0 =	simm.s32 @!p1 $0x0  }
0x14: {  	s2 =	sld [smem:$0x3F98];
	s0 =	simm.s32 @p1 $0x1  }
0x15: {  	[smem:$0x3FB5] =	sst s0;
	s0 =	simm.s32 @!p2 $0x0  }
0x16: {  	s3 =	sld [smem:$0x3FDB];
	s0 =	simm.s32 @p2 $0x1  }
0x17: {  	s4 =	simm.s32 $0x1BF5;
	[smem:$0x3FB7] =	sst s0  }
0x18: {  	s0 =	sld [smem:$0x3F9A];
	_ =	swait.ge [sflag:s4], $0x0  }
0x19: {  	s7 =	sld [smem:$0x3F9B]  }
0x1a: {  	s8 =	sadd.s32 $0xFFFFE003, lr  }
0x1b: {  	s9 =	sadd.s32 $0xFFFFFEF7, lr;
	s5 =	simm.s32 $0xFFFFFFFF;
	p2 =	slt.u32 s8, $0xFFFFF086  }
0x1c: {  	p1 =	slt.u32 s9, $0xF7A;
	s5 =	simm.s32 @!p2 $0x0  }
0x1d: {  	s5 =	simm.s32 @p1 $0x1;
	p0 =	seq.s32 s7, s2  }
0x1e: {  	s7 =	smul.u32 @!p0 $0xF7A, s2;
	p2 =	seq.s32 @!p0 s5, $0x0  }
0x1f: {  	s9 =	smul.u32 $0xF7A, s1;
	s8 =	simm.s32 @!p0 $0x1BF5;
	p2 =	por !p2, p0  }
0x20: {  	[sflag:s8] =	ssyncset.s32 @!p0 $0xFFFFF086;
	s6 =	sadd.s32 @!p0 s3, s7;
	s7 =	simm.s32 @!p0 $0x108  }
0x21: {  	s3 =	sadd.s32 s3, s9;
	s6 =	sadd.s32 @!p0 $0x88, s6;
	s7 =	simm.s32 @p2 $0x1082  }
0x22: {  	[simem:s7], [sflag:s8] =	dma.local @!p0 [hbm:s6], $0xF7A  }
0x23: {  	s9 =	sor.u32 $0xD0000000, s2;
	s6 =	simm.s32 $0x108;
	_ =	swait.ge @!p0 [sflag:s8], $0x0  }
0x24: {  	s3 =	sadd.s32 $0x88, s3;
	s6 =	simm.s32 @!p1 $0x1082;
	[sflag:s4] =	ssyncset.s32 $0xFFFFF086  }
0x25: {  	[simem:s6], [sflag:s4] =	dma.local [hbm:s3], $0xF7A  }
0x26: {  	[smem:$0x3F9B] =	sst s1;
	(tag) =	ssettag s2;
	_ =	strace s9  }
0x27: {  	s1 =	sld [smem:$0x3FAB]  }
0x28: {  	s2 =	sld [smem:$0x3FAC]  }
0x29: {  	s4 =	sld [smem:$0x3FAE]  }
0x2a: {  	p0 =	seq.s32 s5, $0x0;
	s5 =	sld [smem:$0x3FAF]  }
0x2b: {  	s6 =	sld [smem:$0x3FB0]  }
0x2c: {  	s7 =	sld [smem:$0x3FB1]  }
0x2d: {  	s3 =	simm.s32 $0x108;
	s8 =	sld [smem:$0x3FB2]  }
0x2e: {  	s3 =	simm.s32 @!p0 $0x1082;
	s9 =	sld [smem:$0x3FB3]  }
0x2f: {  	lr =	sadd.s32 s0, s3;
	s0 =	sld [smem:$0x3FAA]  }
0x30: {  	s3 =	sld [smem:$0x3FAD]  }
0x31: {  	[smem:$0x3FB6] =	sst s10  }
0x32: {  	s10 =	sld [smem:$0x3FB4];
	_ =	sdelay $0x3  }
0x33: {  	p0 =	seq.s32 s10, $0x1;
	s10 =	sld [smem:$0x3FB6];
	_ =	sdelay $0x3  }
0x34: {  	[smem:$0x3FB6] =	sst s10  }
0x35: {  	s10 =	sld [smem:$0x3FB5];
	_ =	sdelay $0x3  }
0x36: {  	p1 =	seq.s32 s10, $0x1;
	s10 =	sld [smem:$0x3FB6];
	_ =	sdelay $0x3  }
0x37: {  	[smem:$0x3FB6] =	sst s10  }
0x38: {  	s10 =	sld [smem:$0x3FB7]  }
0x39: {  	_ = 	snop;
	(pc) =	sbr.ind lr, $3  }
0x3a: {  	_ = 	snop  }
0x3b: {  	_ = 	snop  }
0x3c: {  	p2 =	seq.s32 s10, $0x1;
	s10 =	sld [smem:$0x3FB6]  }
0x3d: {  	_ =	shalt  }
0x3e: {  	_ =	shalt  }
0x3f: {  	_ =	shalt  }
0x40: {  	_ =	shalt  }
0x41: {  	_ =	shalt  }
0x42: {  	_ =	shalt  }
0x43: {  	_ =	shalt  }
0x44: {  	_ =	shalt  }
0x45: {  	_ =	shalt  }
0x46: {  	_ =	shalt  }
0x47: {  	_ =	shalt  }
0x48: {  	_ =	shalt  }
0x49: {  	_ =	shalt  }
0x4a: {  	_ =	shalt  }
0x4b: {  	_ =	shalt  }
0x4c: {  	_ =	shalt  }
0x4d: {  	_ =	shalt  }
0x4e: {  	_ =	shalt  }
0x4f: {  	_ =	shalt  }
0x50: {  	_ =	shalt  }
0x51: {  	_ =	shalt  }
0x52: {  	_ =	shalt  }
0x53: {  	_ =	shalt  }
0x54: {  	_ =	shalt  }
0x55: {  	_ =	shalt  }
0x56: {  	_ =	shalt  }
0x57: {  	_ =	shalt  }
0x58: {  	_ =	shalt  }
0x59: {  	_ =	shalt  }
0x5a: {  	_ =	shalt  }
0x5b: {  	_ =	shalt  }
0x5c: {  	_ =	shalt  }
0x5d: {  	_ =	shalt  }
0x5e: {  	_ =	shalt  }
0x5f: {  	_ =	shalt  }
0x60: {  	_ =	shalt  }
0x61: {  	_ =	shalt  }
0x62: {  	_ =	shalt  }
0x63: {  	_ =	shalt  }
0x64: {  	_ =	shalt  }
0x65: {  	_ =	shalt  }
0x66: {  	_ =	shalt  }
0x67: {  	_ =	shalt  }
0x68: {  	_ =	shalt  }
0x69: {  	_ =	shalt  }
0x6a: {  	_ =	shalt  }
0x6b: {  	_ =	shalt  }
0x6c: {  	_ =	shalt  }
0x6d: {  	_ =	shalt  }
0x6e: {  	_ =	shalt  }
0x6f: {  	_ =	shalt  }
0x70: {  	_ =	shalt  }
0x71: {  	_ =	shalt  }
0x72: {  	_ =	shalt  }
0x73: {  	_ =	shalt  }
0x74: {  	_ =	shalt  }
0x75: {  	_ =	shalt  }
0x76: {  	_ =	shalt  }
0x77: {  	_ =	shalt  }
0x78: {  	_ =	shalt  }
0x79: {  	_ =	shalt  }
0x7a: {  	_ =	shalt  }
0x7b: {  	_ =	shalt  }
0x7c: {  	_ =	shalt  }
0x7d: {  	_ =	shalt  }
0x7e: {  	_ =	shalt  }
0x7f: {  	_ =	shalt  }
0x80: {  	_ =	shalt  }
0x81: {  	_ =	shalt  }
0x82: {  	_ =	shalt  }
0x83: {  	_ =	shalt  }
0x84: {  	_ =	shalt  }
0x85: {  	_ =	shalt  }
0x86: {  	_ =	shalt  }
0x87: {  	_ =	shalt  }
.Lfunc_end0:
.L_simem_size_0:
called_computation.1_lowered:
.L_overlay_start_0:
0x88: {  	s2 =	sld [smem:$0x3FD9]  }
0x89: {  	s3 =	sld [smem:$0x3FFE];
	_ =	sdelay $0x1  }
0x8a: {  	s1 =	srdreg.scid  }
0x8b: {  	s0 =	sand.u32 $0x1, s1  }
0x8c: {  	s17 =	sshll.u32 s0, $0xA;
	s2 =	sadd.s32 s3, s2  }
0x8d: {  	s2 =	sadd.s32 s2, s17  }
0x8e: {  	[smem:$0x3FC2] =	sst s2  }
0x8f: {  	_ = 	snop  }
0x90: {  	s2 =	sld [smem:$0x3FD0];
	(tm) =	ssettm $0x1  }
0x91: {  	s18 =	sld [smem:$0x3FFB];
	_ =	sdelay $0x3  }
0x92: {  	_ =	strace s18  }
0x93: {  	s3 =	sld [smem:$0x3FFC];
	_ =	sdelay $0x3  }
0x94: {  	_ =	strace s3  }
0x95: {  	s3 =	sld [smem:$0x3FFD];
	_ =	sdelay $0x3  }
0x96: {  	_ =	strace s3  }
0x97: {  	_ =	strace $0x8FFFFFFF  }
0x98: {  	s19 =	sld [smem:$0x3FDB];
	_ =	sdelay $0x1  }
0x99: {  	s4 =	simm.s32 $_scs_section_size  }
0x9a: {  	s5 =	simm.s32 $_size__tile_overlayer_lowered;
	s6 =	simm.s32 $_tile_overlayer_lowered  }
0x9b: {  	s22 =	simm.s32 $0x1BFF;
	s21 =	sshll.u32 s6, $0x1;
	s3 =	sadd.s32 s4, s19  }
0x9c: {  	s7 =	simm.s32 $0x0;
	s20 =	sshll.u32 s5, $0x1;
	s5 =	sadd.s32 s21, s3  }
0x9d: {  	[timem:s7], [sflag:s22] =	dma.local [hbm:s5], s20  }
0x9e: {  	_ =	swait.ge [sflag:s22], s20  }
0x9f: {  	s4 =	ssub.s32 $0x0, s20;
	[sflag:s22] =	ssyncset.done $0x0  }
0xa0: {  	[sflag:s22] =	ssyncadd.s32 s4;
	_ =	sdelay $0x1  }
0xa1: {  	s23 =	simm.s32 $0x1B8B  }
0xa2: {  	_ =	swait.ge [sflag:s23], $0x1  }
0xa3: {  	[sflag:s23] =	ssyncset.done $0x0  }
0xa4: {  	s25 =	simm.s32 $0x1B8E;
	s24 =	sld [smem:$0x3FFE];
	[sflag:s23] =	ssyncadd.s32 $0xFFFFFFFF  }
0xa5: {  	s26 =	simm.s32 $execute0_lowered;
	[smem:$0x3FD2] =	sst s25  }
0xa6: {  	s5 =	sshll.u32 s26, $0x1;
	_ =	strace $0x80000049;
	[dreg:$0x1] =	wrdreg $0xFFFFFFFF  }
0xa7: {  	s28 =	simm.s32 $_size_execute0_lowered;
	s3 =	sadd.s32 s3, s5;
	[dreg:$0x0] =	wrdreg $0x0  }
0xa8: {  	s5 =	sshll.u32 s28, $0x1;
	[dreg:$0x2] =	wrdreg s3  }
0xa9: {  	[dreg:$0x3] =	wrdreg s5  }
0xaa: {  	[dreg:$0x4] =	wrdreg $0xC0  }
0xab: {  	_ =	task [dreg:s7], $0x5FFFF  }
0xac: {  	[dreg:$0x1] =	wrdreg $0xFFFFFFFF  }
0xad: {  	[dreg:$0x0] =	wrdreg $0x60  }
0xae: {  	[dreg:$0x2] =	wrdreg s24  }
0xaf: {  	[dreg:$0x3] =	wrdreg s2  }
0xb0: {  	[dreg:$0x4] =	wrdreg $0x118800  }
0xb1: {  	[dreg:$0x5] =	wrdreg $0x9  }
0xb2: {  	_ =	task.clear_ibuf [dreg:s7], $0x6FFFF;
	_ =	strace $0x90000049  }
0xb3: {  	s29 =	simm.s32 $0x9;
	_ =	strace $0x8000004B  }
0xb4: {  	_ =	swait.ge [sflag:s29], $0x1  }
0xb5: {  	[sflag:s29] =	ssyncadd.s32 $0xFFFFFFFF  }
0xb6: {  	_ =	strace $0x9000004B  }
0xb7: {  	_ =	sfence  }
0xb8: {  	s30 =	sld [smem:$0x0];
	_ =	sdelay $0x2  }
0xb9: {  	s31 =	sshll.u32 s1, $0xD;
	s1 =	sshrl.u32 s1, $0x2  }
0xba: {  	s3 =	sand.u32 $0x4000, s31;
	s1 =	sadd.s32 s1, s30  }
0xbb: {  	s0 =	sor.u32 s3, s0;
	s1 =	sshll.u32 s1, $0x11  }
0xbc: {  	s0 =	sor.u32 s1, s0  }
0xbd: {  	s0 =	sadd.s32 $0x8F2B, s0  }
0xbe: {  	[sflag:s0] =	ssyncadd.remote.s32 $0x1  }
0xbf: {  	_ =	sfence.sel $0xFFFF  }
0xc0: {  	[dreg:$0x0] =	wrdreg $0xFFFFFFFF;
	(pc) =	sbr.abs _section_cstart, $3  }
0xc1: {  	[dreg:$0x1] =	wrdreg $0xFFFFFFFF  }
0xc2: {  	_ =	task.clear_ibuf [dreg:s7], $0x2FFFF;
	_ =	strace $0x9FFFFFFF  }
0xc3: {  	(tm) =	ssettm $0x7FFFFFFF  }
tec
execute0_lowered:
.L_overlay_start_1:
0x0: {  	(tag) =	ssettag $0x1  }
0x1: {  	s0 =	rddreg [dreg:$0x0];
	s10 =	stileid.u32  }
0x2: {  	s1 =	srdreg.scid;
	s2 =	rddreg [dreg:$0x2]  }
0x3: {  	s3 =	simm.s32 $0x0;
	s15 =	simm.s32 $0x11800;
	s16 =	simm.s32 $0x4  }
0x4: {  	s17 =	simm.s32 $0x1;
	s18 =	simm.s32 $0x2;
	s19 =	simm.s32 $0x3  }
0x5: {  	s20 =	simm.s32 $0xCD00;
	s21 =	simm.s32 $0x80;
	s22 =	simm.s32 $0x400  }
0x6: {  	s23 =	simm.s32 $0xC00;
	s24 =	simm.s32 $0x18000;
	s25 =	simm.s32 $0xFD00  }
0x7: {  	s26 =	simm.s32 $0x11680;
	s28 =	simm.s32 $0x0;
	s4 =	smul.u32 $0x9C4, s10  }
0x8: {  	s1 =	sand.u32 $0x1, s1;
	[smem:$0x7FF] =	sst s3;
	s6 =	smul.u32 $0x180, s10  }
0x9: {  	s29 =	sshrl.u32 s10, $0x3;
	s30 =	sshll.u32 s10, $0x7;
	s5 =	smul.u32 $0x1800, s1  }
0xa: {  	_ =	strace $0x8000004A;
	s1 =	ssub.s32 $0x2, s1;
	s9 =	smul.u32 $0x60000, s29  }
0xb: {  	s7 =	sadd.s32 s4, s0;
	s8 =	sshrl.u32 s1, $0x1;
	s4 =	sadd.s32 s6, s5  }
0xc: {  	s5 =	sadd.s32 $0x44600, s0;
	s1 =	ssub.s32 s1, s8;
	s9 =	sshrl.u32 s9, $0x2  }
0xd: {  	s8 =	sand.u32 $0x380, s30;
	s6 =	sshrl.u32 s4, $0x3;
	s9 =	sadd.s32 s9, s2  }
0xe: {  	s31 =	sshll.u32 s4, $0x3;
	s12 =	smax.u32 s1, $0x1;
	s0 =	sadd.s32 s6, s0  }
0xf: {  	s6 =	sadd.s32 $0xA00, s7;
	s7 =	sadd.s32 $0xA800, s7;
	s8 =	sadd.s32 s8, s9  }
0x10: {  	v0 =	vimm.f32 $0.0e+00;
	s9 =	sadd.s32 s31, s2;
	s10 =	sadd.s32 $0x44C00, s0;
	s11 =	sadd.s32 $0x14600, s0  }
.LBB2_1:
0x11: {  	[tilespmem:s3], [sflag:$0x1] =	stream.linear.gather [hbm4b:s5+s3], $0x3000, $0x38;
	[tilespmem:$0x14880] =	vst v63  }
0x12: {  	s0 =	simm.s32 $0x3000  }
0x13: {  	[tilespmem:s0], [sflag:$0x2] =	stream.linear.gather [hbm4b:s6+s3], $0x4E20, $0x38;
	[tilespmem:$0x14880] =	vst v63  }
0x14: {  	s30 =	simm.s32 $0x7E80  }
0x15: {  	[tilespmem:s30], [sflag:$0x3] =	stream.linear.gather [hbm4b:s7+s3], $0x4E20, $0x38;
	[tilespmem:$0x14880] =	vst v63  }
0x16: {  	s31 =	rddreg [dreg:$0x1]  }
0x17: {  	[tilespmem:s15], [sflag:$0x4] =	stream.linear.gather [hbm4b:s31+s3], $0x80, $0x38;
	[tilespmem:$0x14880] =	vst v63  }
0x18: {  	_ =	swait.ge [sflag:s16], $0x80  }
0x19: {  	[sflag:s16] =	ssyncset.done $0x0  }
0x1a: {  	s1 =	simm.s32 $0x0;
	s0 =	simm.s32 $0x40;
	[sflag:s16] =	ssyncadd.s32 $0xFFFFFF80  }
.LBB2_2:
0x1b: {  	p0 =	sne.s32 s0, $0xBFC0;
	[tilespmem:s1+$0xCD00] =	vst v0;
	s1 =	smov.u32 s0;
	s0 =	sadd.s32 $0x40, s0  }
.Ltmp0:
0x1c: {  	(pc) =	sbr.rel @p0 .LBB2_2-.Ltmp0, $2  }
0x1d: {  	_ =	sdelay $0x2  }
0x1e: {  	s1 =	sshra.s32 s1, $0x2  }
0x1f: {  	[tilespmem:s1+$0xCD00] =	vst v0  }
0x20: {  	_ =	swait.ge [sflag:s17], $0x3000  }
0x21: {  	[sflag:s17] =	ssyncset.done $0x0  }
0x22: {  	[sflag:s17] =	ssyncadd.s32 $0xFFFFD000  }
0x23: {  	_ =	swait.ge [sflag:s18], $0x4E20  }
0x24: {  	[sflag:s18] =	ssyncset.done $0x0  }
0x25: {  	[sflag:s18] =	ssyncadd.s32 $0xFFFFB1E0  }
0x26: {  	_ =	swait.ge [sflag:s19], $0x4E20  }
0x27: {  	[sflag:s19] =	ssyncset.done $0x0  }
0x28: {  	s1 =	simm.s32 $0x0;
	s0 =	simm.s32 $0x40;
	[sflag:s19] =	ssyncadd.s32 $0xFFFFB1E0  }
.LBB2_4:
0x29: {  	p0 =	sne.s32 s0, $0x13840;
	v1 =	vld [tilespmem:s1+$0x3000];
	_ =	sdelay $0x5  }
0x2a: {  	v2 =	vld [tilespmem:s1+$0x7E80];
	_ =	sdelay $0x1  }
0x2b: {  	v1 =	vld.idx.msk [tilespmem:v1+s3+$0x0], $0xffff;
	_ =	sdelay $0x1  }
.Ltmp1:
0x2c: {  	(pc) =	sbr.rel @p0 .LBB2_4-.Ltmp1, $2  }
0x2d: {  	_ =	sdelay $0x2  }
0x2e: {  	s1 =	sshra.s32 s0, $0x2;
	s0 =	sadd.s32 $0x40, s0;
	[tilespmem:v2+s20+$0x0] =	vst.idx.add.f32.msk $0xffff, v1  }
0x2f: {  	v1 =	vld [tilespmem:s1+$0x3000];
	_ =	sdelay $0x4  }
0x30: {  	v2 =	vld [tilespmem:s1+$0x7E80];
	_ =	sdelay $0x2  }
0x31: {  	v1 =	vld.idx.msk [tilespmem:v1+s3+$0x0], $0xffff;
	_ =	sdelay $0x4  }
0x32: {  	[tilespmem:v2+s20+$0x0] =	vst.idx.add.f32.msk $0xffff, v1  }
0x33: {  	[spmem:s8] =	stream.strided.scatter [tilespmem:s20], [sflag:$0x4], $0x3000, s22, s21, $0x38;
	[tilespmem:$0x14880] =	vst v63  }
0x34: {  	_ =	swait.ge [sflag:s16], $0x3000  }
0x35: {  	[sflag:s16] =	ssyncset.done $0x0  }
0x36: {  	[sflag:s16] =	ssyncadd.s32 $0xFFFFD000  }
0x37: {  	[bflag:$0x0] =	sbarrier.arrive $0xFFFF  }
0x38: {  	[tilespmem:s25], [sflag:$0x4] =	stream.strided.gather [spmem:s9], $0x1800, s24, s23, $0x38;
	[tilespmem:$0x14880] =	vst v63  }
0x39: {  	_ =	swait.ge [sflag:s16], $0x1800  }
0x3a: {  	[sflag:s16] =	ssyncset.done $0x0  }
0x3b: {  	s0 =	simm.s32 $0x0;
	s29 =	simm.s32 $0x11500;
	[sflag:s16] =	ssyncadd.s32 $0xFFFFE800  }
0x3c: {  	[tilespmem:s29], [sflag:$0x4] =	stream.linear.gather [hbm4b:s10+s0], $0x180, $0x38;
	[tilespmem:$0x14880] =	vst v63  }
0x3d: {  	_ =	swait.ge [sflag:s16], $0x180  }
0x3e: {  	s1 =	sand.u32 $0x70, s0;
	s0 =	sand.u32 $0xC00, s0;
	[sflag:s16] =	ssyncset.done $0x0  }
0x3f: {  	s0 =	sor.u32 s1, s0;
	[sflag:s16] =	ssyncadd.s32 $0xFFFFFE80  }
0x40: {  	v1 =	vld [tilespmem:s0+$0xFD80]  }
0x41: {  	v2 =	vld [tilespmem:s0+$0xFD00];
	_ =	sdelay $0x1  }
0x42: {  	v3 =	vld [tilespmem:s0+$0xFE00];
	_ =	sdelay $0x1  }
0x43: {  	v4 =	vld [tilespmem:s0+$0xFE80]  }
0x44: {  	v1 =	vadd.f32 v1, v2  }
0x45: {  	v2 =	vld [tilespmem:s0+$0xFF00]  }
0x46: {  	v1 =	vadd.f32 v3, v1  }
0x47: {  	v3 =	vld [tilespmem:s0+$0xFF80]  }
0x48: {  	s2 =	sadd.s32 $0xFD00, s0;
	v1 =	vadd.f32 v4, v1  }
0x49: {  	v60 =	vld [tilespmem:s2+$0x300]  }
0x4a: {  	v1 =	vadd.f32 v2, v1  }
0x4b: {  	v2 =	vld [tilespmem:s2+$0x380]  }
0x4c: {  	v1 =	vadd.f32 v3, v1  }
0x4d: {  	v3 =	vld [tilespmem:s0+$0x10900]  }
0x4e: {  	v1 =	vadd.f32 v60, v1  }
0x4f: {  	v61 =	vld [tilespmem:s0+$0x10980]  }
0x50: {  	v1 =	vadd.f32 v2, v1  }
0x51: {  	v2 =	vld [tilespmem:s0+$0x10A00]  }
0x52: {  	v1 =	vadd.f32 v3, v1  }
0x53: {  	v3 =	vld [tilespmem:s0+$0x10A80]  }
0x54: {  	v1 =	vadd.f32 v61, v1  }
0x55: {  	v62 =	vld [tilespmem:s0+$0x10B00]  }
0x56: {  	v1 =	vadd.f32 v2, v1  }
0x57: {  	v2 =	vld [tilespmem:s0+$0x10B80]  }
0x58: {  	v1 =	vadd.f32 v3, v1  }
0x59: {  	v3 =	vld [tilespmem:s0+$0x10C00]  }
0x5a: {  	s14 =	sadd.s32 $0x0, s4;
	v1 =	vadd.f32 v62, v1  }
0x5b: {  	s13 =	sand.u32 $0x7F80, s14;
	v63 =	vld [tilespmem:s0+$0x10C80]  }
0x5c: {  	s0 =	sor.u32 s1, s13;
	v1 =	vadd.f32 v2, v1  }
0x5d: {  	v2 =	vld [tilespmem:s0+$0x0]  }
0x5e: {  	v1 =	vadd.f32 v3, v1  }
0x5f: {  	v3 =	vld [tilespmem:s29+$0x0]  }
0x60: {  	v4 =	vadd.f32 v63, v1  }
0x61: {  	v1 =	vld [tilespmem:$0x11800]  }
0x62: {  	v2 =	vadd.f32 v2, v4;
	_ =	sdelay $0x1  }
0x63: {  	v2 =	vmul.f32 v2, v3;
	_ =	sdelay $0x1  }
0x64: {  	s31 =	simm.s32 $0x10;
	s0 =	simm.s32 $0x80;
	v2 =	vadd.f32 v2, v1  }
0x65: {  	s30 =	simm.s32 $0x11680;
	s1 =	sand.u32 $0x70, s31;
	s14 =	sand.u32 $0xC00, s0  }
0x66: {  	s13 =	simm.s32 $0x20;
	s2 =	sor.u32 s1, s14;
	[tilespmem:s30+$0x0] =	vst v2  }
.LBB2_6:
0x67: {  	p0 =	sne.s32 s13, $0x170;
	v2 =	vld [tilespmem:s2+$0xFD80]  }
0x68: {  	v3 =	vld [tilespmem:s2+$0xFD00];
	_ =	sdelay $0x1  }
0x69: {  	v4 =	vld [tilespmem:s2+$0xFE00];
	_ =	sdelay $0x1  }
0x6a: {  	v5 =	vld [tilespmem:s2+$0xFE80]  }
0x6b: {  	v2 =	vadd.f32 v2, v3  }
0x6c: {  	v3 =	vld [tilespmem:s2+$0xFF00]  }
0x6d: {  	v2 =	vadd.f32 v4, v2  }
0x6e: {  	v4 =	vld [tilespmem:s2+$0xFF80]  }
0x6f: {  	s14 =	sadd.s32 $0xFD00, s2;
	v2 =	vadd.f32 v5, v2  }
0x70: {  	v5 =	vld [tilespmem:s14+$0x300]  }
0x71: {  	v2 =	vadd.f32 v3, v2  }
0x72: {  	v3 =	vld [tilespmem:s14+$0x380]  }
0x73: {  	v2 =	vadd.f32 v4, v2  }
0x74: {  	v4 =	vld [tilespmem:s2+$0x10900]  }
0x75: {  	v2 =	vadd.f32 v5, v2  }
0x76: {  	v5 =	vld [tilespmem:s2+$0x10980]  }
0x77: {  	v2 =	vadd.f32 v3, v2  }
0x78: {  	v3 =	vld [tilespmem:s2+$0x10A00]  }
0x79: {  	v2 =	vadd.f32 v4, v2  }
0x7a: {  	v4 =	vld [tilespmem:s2+$0x10A80]  }
0x7b: {  	v2 =	vadd.f32 v5, v2  }
0x7c: {  	v5 =	vld [tilespmem:s2+$0x10B00]  }
0x7d: {  	v2 =	vadd.f32 v3, v2  }
0x7e: {  	v3 =	vld [tilespmem:s2+$0x10B80]  }
0x7f: {  	v2 =	vadd.f32 v4, v2  }
0x80: {  	v4 =	vld [tilespmem:s2+$0x10C00]  }
0x81: {  	s14 =	sadd.s32 s31, s4;
	s31 =	smov.u32 s13;
	v2 =	vadd.f32 v5, v2  }
0x82: {  	v5 =	vld [tilespmem:s2+$0x10C80];
	s2 =	sand.u32 $0x7F80, s14  }
0x83: {  	v2 =	vadd.f32 v3, v2;
	s1 =	sor.u32 s1, s2  }
0x84: {  	v3 =	vld [tilespmem:s1+$0x0]  }
0x85: {  	s29 =	sadd.s32 $0x10, s29;
	v2 =	vadd.f32 v4, v2  }
0x86: {  	v4 =	vld [tilespmem:s29+$0x0]  }
0x87: {  	v2 =	vadd.f32 v5, v2;
	_ =	sdelay $0x1  }
0x88: {  	v2 =	vadd.f32 v3, v2;
	_ =	sdelay $0x1  }
.Ltmp2:
0x89: {  	v2 =	vmul.f32 v2, v4;
	(pc) =	sbr.rel @p0 .LBB2_6-.Ltmp2, $4  }
0x8a: {  	_ = 	snop  }
0x8b: {  	s0 =	sadd.s32 $0x80, s0;
	v2 =	vadd.f32 v2, v1  }
0x8c: {  	s30 =	sadd.s32 $0x10, s30;
	s2 =	sand.u32 $0xC00, s0;
	s1 =	sand.u32 $0x70, s13  }
0x8d: {  	s13 =	sadd.s32 $0x10, s13;
	s2 =	sor.u32 s1, s2;
	[tilespmem:s30+$0x0] =	vst v2  }
0x8e: {  	v2 =	vld [tilespmem:s2+$0xFD80]  }
0x8f: {  	v3 =	vld [tilespmem:s2+$0xFD00];
	_ =	sdelay $0x1  }
0x90: {  	v4 =	vld [tilespmem:s2+$0xFE00];
	_ =	sdelay $0x1  }
0x91: {  	v5 =	vld [tilespmem:s2+$0xFE80]  }
0x92: {  	v2 =	vadd.f32 v2, v3  }
0x93: {  	v3 =	vld [tilespmem:s2+$0xFF00]  }
0x94: {  	v2 =	vadd.f32 v4, v2  }
0x95: {  	v55 =	vld [tilespmem:s2+$0xFF80]  }
0x96: {  	s0 =	sadd.s32 $0xFD00, s2;
	v2 =	vadd.f32 v5, v2  }
0x97: {  	v56 =	vld [tilespmem:s0+$0x300]  }
0x98: {  	v2 =	vadd.f32 v3, v2  }
0x99: {  	v3 =	vld [tilespmem:s0+$0x380]  }
0x9a: {  	v2 =	vadd.f32 v55, v2  }
0x9b: {  	v57 =	vld [tilespmem:s2+$0x10900]  }
0x9c: {  	v2 =	vadd.f32 v56, v2  }
0x9d: {  	v58 =	vld [tilespmem:s2+$0x10980]  }
0x9e: {  	v2 =	vadd.f32 v3, v2  }
0x9f: {  	v3 =	vld [tilespmem:s2+$0x10A00]  }
0xa0: {  	v2 =	vadd.f32 v57, v2  }
0xa1: {  	v59 =	vld [tilespmem:s2+$0x10A80]  }
0xa2: {  	v2 =	vadd.f32 v58, v2  }
0xa3: {  	v60 =	vld [tilespmem:s2+$0x10B00]  }
0xa4: {  	v2 =	vadd.f32 v3, v2  }
0xa5: {  	v3 =	vld [tilespmem:s2+$0x10B80]  }
0xa6: {  	v2 =	vadd.f32 v59, v2  }
0xa7: {  	v61 =	vld [tilespmem:s2+$0x10C00]  }
0xa8: {  	s14 =	sadd.s32 s31, s4;
	v2 =	vadd.f32 v60, v2  }
0xa9: {  	v62 =	vld [tilespmem:s2+$0x10C80];
	s0 =	sand.u32 $0x7F80, s14  }
0xaa: {  	s0 =	sor.u32 s1, s0;
	v2 =	vadd.f32 v3, v2  }
0xab: {  	v3 =	vld [tilespmem:s0+$0x0]  }
0xac: {  	s29 =	sadd.s32 $0x10, s29;
	v2 =	vadd.f32 v61, v2  }
0xad: {  	v63 =	vld [tilespmem:s29+$0x0]  }
0xae: {  	v2 =	vadd.f32 v62, v2;
	_ =	sdelay $0x1  }
0xaf: {  	v2 =	vadd.f32 v3, v2;
	_ =	sdelay $0x1  }
0xb0: {  	v2 =	vmul.f32 v2, v63;
	_ =	sdelay $0x1  }
0xb1: {  	s28 =	sadd.s32 $0x1, s28;
	v1 =	vadd.f32 v2, v1  }
0xb2: {  	s31 =	sadd.s32 $0x10, s30;
	p0 =	sne.s32 s28, s12  }
.Ltmp3:
0xb3: {  	[tilespmem:s31+$0x0] =	vst v1;
	(pc) =	sbr.rel @p0 .LBB2_1-.Ltmp3, $4  }
0xb4: {  	[hbm4b:s11+s3] =	stream.linear.scatter [tilespmem:s26], [sflag:$0x4], $0x180, $0x38;
	[tilespmem:$0x14880] =	vst v63  }
0xb5: {  	_ =	swait.ge [sflag:s16], $0x180  }
0xb6: {  	[sflag:s16] =	ssyncset.done $0x0  }
0xb7: {  	[sflag:s16] =	ssyncadd.s32 $0xFFFFFE80  }
0xb8: {  	_ =	sfence.sel $0x180000  }
0xb9: {  	[bflag:$0x0] =	sbarrier.arrive $0xFFFF  }
0xba: {  	_ =	strace $0x9000004A  }
0xbb: {  	s0 =	stileid.u32;
	[bflag:$0x2] =	sbarrier.arrive $0xFFFF  }
0xbc: {  	p0 =	sne.s32 s0, $0x0;
	s0 =	rddreg [dreg:$0x3]  }
0xbd: {  	s0 =	sadd.s32 @!p0 $0x100000, s0  }
0xbe: {  	[sflag:s0] =	ssyncadd.tile.s32 @!p0 $0x1;
	_ =	shalt  }
.Lfunc_end2:
_tile_overlayer_lowered:
.L_overlay_start_2:
0xbf: {  	(tag) =	ssettag $0x2  }
0xc0: {  	s0 =	rddreg [dreg:$0x0];
	s2 =	stileid.u32  }
0xc1: {  	s1 =	rddreg [dreg:$0x1];
	p0 =	sne.s32 s2, $0x0  }
0xc2: {  	s3 =	rddreg [dreg:$0x2];
	[bflag:$0x3] =	sbarrier.arrive $0xFFFF;
	s2 =	simm.s32 @!p0 $0x1C04  }
0xc3: {  	[timem:s3], [sflag:s2] =	dma.local @!p0 [hbm:s0], s1  }
0xc4: {  	s0 =	simm.s32 @!p0 $0x4  }
0xc5: {  	_ =	swait.ge @!p0 [sflag:s0], s1  }
0xc6: {  	s1 =	ssub.s32 @!p0 $0x0, s1;
	[sflag:s0] =	ssyncset.done @!p0 $0x0  }
0xc7: {  	[sflag:s0] =	ssyncadd.s32 @!p0 s1  }
0xc8: {  	[bflag:$0x3] =	sbarrier.arrive $0xFFFF  }
0xc9: {  	_ =	shalt  }

</sc_bundles>
